<compile_context>
chip_gen: v7x
topology: tpu7x:2x2x1
jax: 0.10.2.dev20260603
libtpu: 0.0.44.dev20260713+nightly
codegen_flags: <defaults>
</compile_context>

<pallas_src>
import functools

import jax
import jax.numpy as jnp
from jax import lax
from jax.experimental import pallas as pl
from jax.experimental.pallas import tpu as pltpu
from jax.experimental.pallas import tpu_sc as plsc

_THRESH = 0.7
_N = 5000
_NP = 5120
_B = 1024
_C = _NP // _B
_OUT = 1000
_OPAD = 1024

_NW = 32
_RPW = _NP // _NW
_L = 16


def _sc_gather(raw_t_flat, order_pad):
    mesh = plsc.VectorSubcoreMesh(core_axis_name="c", subcore_axis_name="s")
    half = _RPW // 2

    @functools.partial(
        pl.kernel,
        mesh=mesh,
        out_type=jax.ShapeDtypeStruct((4 * _NP,), jnp.float32),
        scratch_types=[
            pltpu.VMEM((_RPW,), jnp.int32),
            pltpu.VMEM((4 * _RPW,), jnp.int32),
            pltpu.VMEM((4 * _RPW,), jnp.float32),
            pltpu.SemaphoreType.DMA,
        ],
    )
    def k(raw_hbm, ord_hbm, colsf_hbm, ord_v, idx_v, val_v, sem):
        wid = lax.axis_index("s") * 2 + lax.axis_index("c")
        base = wid * _RPW
        pltpu.sync_copy(ord_hbm.at[pl.ds(base, _RPW)], ord_v)
        for d in range(4):
            for j in range(_RPW // _L):
                vec = ord_v[pl.ds(j * _L, _L)] + d * _NP
                idx_v[pl.ds(d * _RPW + j * _L, _L)] = vec
        descs = [
            pltpu.async_copy(raw_hbm.at[idx_v.at[pl.ds(m * half, half)]],
                             val_v.at[pl.ds(m * half, half)], sem)
            for m in range(8)
        ]
        for desc in descs:
            desc.wait()
        for d in range(4):
            pltpu.sync_copy(val_v.at[pl.ds(d * _RPW, _RPW)],
                            colsf_hbm.at[pl.ds(d * _NP + base, _RPW)])

    return k(raw_t_flat, order_pad)


def _nms_body(colsin_ref, out_ref, keep_ref, alive_ref, arr_ref,
              cum_ref, cols_ref, rows_ref):
    r = pl.program_id(0)

    dot11 = functools.partial(
        lax.dot_general,
        dimension_numbers=(((1,), (0,)), ((), ())),
        preferred_element_type=jnp.float32,
    )

    @pl.when(r == 0)
    def _init():
        for c in range(_C):
            colc = colsin_ref[:, c * _B:(c + 1) * _B]
            cols_ref[c] = colc
            rows_ref[c * _B:(c + 1) * _B, :] = colc.T
            colg0 = c * _B + lax.broadcasted_iota(jnp.int32, (1, _B), 1)
            keep_ref[c] = (colg0 < _N).astype(jnp.float32)

    cxr = rows_ref[pl.ds(r * _B, _B), 0:1]
    cyr = rows_ref[pl.ds(r * _B, _B), 1:2]
    wr = rows_ref[pl.ds(r * _B, _B), 2:3]
    hr = rows_ref[pl.ds(r * _B, _B), 3:4]
    x1r = cxr - 0.5 * wr
    y1r = cyr - 0.5 * hr
    x2r = cxr + 0.5 * wr
    y2r = cyr + 0.5 * hr
    area_r = (x2r - x1r) * (y2r - y1r)
    rowg = r * _B + lax.broadcasted_iota(jnp.int32, (_B, 1), 0)

    def compute_a(c, diag):
        col = cols_ref[c]
        cxc = col[0:1, :]
        cyc = col[1:2, :]
        wc = col[2:3, :]
        hc = col[3:4, :]
        x1c = cxc - 0.5 * wc
        y1c = cyc - 0.5 * hc
        x2c = cxc + 0.5 * wc
        y2c = cyc + 0.5 * hc
        area_c = (x2c - x1c) * (y2c - y1c)
        xx1 = jnp.maximum(x1r, x1c)
        yy1 = jnp.maximum(y1r, y1c)
        xx2 = jnp.minimum(x2r, x2c)
        yy2 = jnp.minimum(y2r, y2c)
        iw = jnp.maximum(xx2 - xx1, 0.0)
        ih = jnp.maximum(yy2 - yy1, 0.0)
        inter = iw * ih
        union = area_r + area_c - inter
        iou = inter / union
        a = iou > _THRESH
        if diag:
            colg = c * _B + lax.broadcasted_iota(jnp.int32, (1, _B), 1)
            a = a & (colg > rowg)
        return a.astype(jnp.bfloat16)

    arr_ref[...] = compute_a(r, diag=True)
    init = keep_ref[r]
    alive_ref[...] = init

    def w_body(_):
        old = alive_ref[...]
        sup = dot11(old.astype(jnp.bfloat16), arr_ref[...])
        new = jnp.where((sup == 0.0) & (init > 0.0), 1.0, 0.0)
        alive_ref[...] = new
        return jnp.any(new != old)

    lax.while_loop(lambda ch: ch, w_body, True)
    alive = alive_ref[...]
    keep_ref[r] = alive
    alive_b = alive.astype(jnp.bfloat16)

    def cross(c, carry):
        a_c = compute_a(c, diag=False)
        sup = dot11(alive_b, a_c)
        keep_ref[c] = keep_ref[c] * (sup == 0.0).astype(jnp.float32)
        return carry

    lax.fori_loop(r + 1, _C, cross, 0)

    @pl.when(r == _C - 1)
    def _select():
        ii = lax.broadcasted_iota(jnp.int32, (_B, _B), 0)
        jj = lax.broadcasted_iota(jnp.int32, (_B, _B), 1)
        tri = (ii <= jj).astype(jnp.bfloat16)

        def cum_body(c, off):
            k = keep_ref[c]
            cc = dot11(k.astype(jnp.bfloat16), tri) + off
            cum_ref[c] = cc
            return cc[0:1, _B - 1:_B]

        total = lax.fori_loop(0, _C, cum_body, jnp.zeros((1, 1), jnp.float32))

        oo = lax.broadcasted_iota(jnp.int32, (_OPAD, 1), 0).astype(jnp.float32)
        lane0 = lax.broadcasted_iota(jnp.int32, (1, _B), 1) == 0

        def sel_body(c, acc):
            cc = cum_ref[c]
            k = keep_ref[c]
            onehot = (k > 0.0) & (cc == oo + 1.0)
            fill = (oo + 1.0 > total) & lane0 & (c == 0)
            p = (onehot | fill).astype(jnp.bfloat16)
            boxes_c = rows_ref[pl.ds(c * _B, _B), :]
            hi = boxes_c.astype(jnp.bfloat16)
            r1 = boxes_c - hi.astype(jnp.float32)
            mid = r1.astype(jnp.bfloat16)
            lo = (r1 - mid.astype(jnp.float32)).astype(jnp.bfloat16)
            for part in (hi, mid, lo):
                acc = acc + dot11(p, part)
            return acc

        acc = lax.fori_loop(0, _C, sel_body, jnp.zeros((_OPAD, 4), jnp.float32))
        out_ref[...] = acc[0:_OUT, :]


def _nms_pallas(cols2d):
    return pl.pallas_call(
        _nms_body,
        grid=(_C,),
        in_specs=[
            pl.BlockSpec((4, _NP), lambda r: (0, 0)),
        ],
        out_specs=pl.BlockSpec((_OUT, 4), lambda r: (0, 0)),
        out_shape=jax.ShapeDtypeStruct((_OUT, 4), jnp.float32),
        scratch_shapes=[
            pltpu.VMEM((_C, 1, _B), jnp.float32),
            pltpu.VMEM((1, _B), jnp.float32),
            pltpu.VMEM((_B, _B), jnp.bfloat16),
            pltpu.VMEM((_C, 1, _B), jnp.float32),
            pltpu.VMEM((_C, 4, _B), jnp.float32),
            pltpu.VMEM((_NP, 4), jnp.float32),
        ],
    )(cols2d)


def _run(rpn_boxes, rpn_scores):
    scores = jax.nn.sigmoid(rpn_scores.squeeze(1))
    order = jnp.argsort(-scores)
    order_pad = jnp.concatenate([order.astype(jnp.int32),
                                 jnp.arange(_N, _NP, dtype=jnp.int32)])
    raw_t_flat = jnp.pad(rpn_boxes, ((0, _NP - _N), (0, 0))).T.reshape(-1)
    colsf = _sc_gather(raw_t_flat, order_pad)
    return _nms_pallas(colsf.reshape(4, _NP))


def kernel(rpn_boxes, rpn_scores, img_height, img_width):
    del img_height, img_width
    return _run(rpn_boxes, rpn_scores)

# --- scband reference (transcript-rebuilt; emitter-appended) ---
"""Pipeline reference for scband-localization-layer-6605659701604 (READ-ONLY COPY).

The authoritative reference and input builder live on the scoring server;
editing this copy changes nothing except your own understanding.
"""

import jax, jax.numpy as jnp
import numpy as np

NMS_THRESH = 0.7
NUM_PROPOSALS = 1000
N_BOXES = 5000


def _cxcywh_to_xyxy(b):
    cx, cy, w, h = b[:, 0], b[:, 1], b[:, 2], b[:, 3]
    return jnp.stack([cx - 0.5 * w, cy - 0.5 * h, cx + 0.5 * w, cy + 0.5 * h], axis=1)


def _pairwise_iou(xyxy):
    x1, y1, x2, y2 = xyxy[:, 0], xyxy[:, 1], xyxy[:, 2], xyxy[:, 3]
    area = (x2 - x1) * (y2 - y1)
    xx1 = jnp.maximum(x1[:, None], x1[None, :])
    yy1 = jnp.maximum(y1[:, None], y1[None, :])
    xx2 = jnp.minimum(x2[:, None], x2[None, :])
    yy2 = jnp.minimum(y2[:, None], y2[None, :])
    iw = jnp.maximum(xx2 - xx1, 0.0)
    ih = jnp.maximum(yy2 - yy1, 0.0)
    inter = iw * ih
    union = area[:, None] + area[None, :] - inter
    return inter / jnp.maximum(union, 1e-9)


def setup_inputs(seed: int = 0) -> dict:
    key = jax.random.key(seed)
    k1, k2, k3, k4, k5 = jax.random.split(key, 5)
    W, H = 800.0, 800.0
    cx = jax.random.uniform(k1, (N_BOXES,)) * W
    cy = jax.random.uniform(k2, (N_BOXES,)) * H
    w = jax.random.uniform(k3, (N_BOXES,)) * 120.0 + 16.0
    h = jax.random.uniform(k4, (N_BOXES,)) * 120.0 + 16.0
    rpn_boxes = jnp.stack([cx, cy, w, h], axis=1)
    rpn_scores = jax.random.normal(k5, (N_BOXES, 1), dtype=jnp.float32)
    return {"rpn_boxes": rpn_boxes, "rpn_scores": rpn_scores, "img_height": 800, "img_width": 800}


def reference(rpn_boxes, rpn_scores, img_height, img_width):
    # eval-mode path of LocalizationLayer: sigmoid scores, cxcywh->xyxy, greedy NMS, cap proposals
    scores = jax.nn.sigmoid(rpn_scores.squeeze(1))
    order = jnp.argsort(-scores)
    boxes_sorted = rpn_boxes[order]
    xyxy = _cxcywh_to_xyxy(boxes_sorted)
    iou = _pairwise_iou(xyxy)
    n = boxes_sorted.shape[0]
    ar = jnp.arange(n)

    def body(i, keep):
        sup = (iou[i] > NMS_THRESH) & (ar > i) & keep[i]
        return keep & (~sup)

    keep = jax.lax.fori_loop(0, n, body, jnp.ones((n,), dtype=bool))
    idx = jnp.nonzero(keep, size=NUM_PROPOSALS, fill_value=0)[0]
    rpn_boxes_nms = boxes_sorted[idx]
    return rpn_boxes_nms

if __name__ == "__main__":
    import jax
    _d = setup_inputs()
    print(jax.jit(kernel)(*tuple(_d.values())))

</pallas_src>

<mosaic_0001>
#map = affine_map<(d0, d1) -> (0)>
module attributes {stable_mosaic.version = 14 : i64} {
  func.func @k(%arg0: i32, %arg1: i32, %arg2: memref<20480xf32, #tpu.memory_space<hbm>>, %arg3: memref<5120xi32, #tpu.memory_space<hbm>>, %arg4: memref<20480xf32, #tpu.memory_space<hbm>>, %arg5: memref<160xi32, #tpu.memory_space<vmem>>, %arg6: memref<640xi32, #tpu.memory_space<vmem>>, %arg7: memref<640xf32, #tpu.memory_space<vmem>>, %arg8: memref<!tpu.dma_semaphore, #tpu.memory_space<semaphore_mem>>) attributes {dimension_semantics = [#tpu.dimension_semantics<core_parallel>, #tpu.dimension_semantics<subcore_parallel>], iteration_bounds = array<i64: 2, 16>, scalar_prefetch = 0 : i64, scratch_operands = 4 : i64, tpu.core_type = #tpu.core_type<sc_vector_subcore>, window_params = [{transform_indices = #map}, {transform_indices = #map}, {transform_indices = #map}]} {
    %mul3A = arith.constant 2 : i32
    %mul3A_0 = arith.muli %arg1, %mul3A : i32
    %add3A = arith.addi %mul3A_0, %arg0 : i32
    %mul3A_1 = arith.constant 160 : i32
    %mul3A_2 = arith.muli %add3A, %mul3A_1 : i32
    "tpu.region"() ({
      %run_scoped3A = tpu.sem_alloc : memref<!tpu.dma_semaphore, #tpu.memory_space<semaphore_mem>>
      %dma_start3A_503 = tpu.memref_slice %arg3[%mul3A_2] : memref<5120xi32, #tpu.memory_space<hbm>> -> memref<160xi32, #tpu.memory_space<hbm>>
      %dma_start3A_504 = tpu.memref_slice %arg3[%mul3A_2] : memref<5120xi32, #tpu.memory_space<hbm>> -> memref<160xi32, #tpu.memory_space<hbm>>
      tpu.enqueue_dma source(%dma_start3A_504 : memref<160xi32, #tpu.memory_space<hbm>>) target(%arg5 : memref<160xi32, #tpu.memory_space<vmem>>) target_semaphore(%run_scoped3A : memref<!tpu.dma_semaphore, #tpu.memory_space<semaphore_mem>>)
      %dma_wait3A_505 = tpu.memref_slice %arg3[%mul3A_2] : memref<5120xi32, #tpu.memory_space<hbm>> -> memref<160xi32, #tpu.memory_space<hbm>>
      %dma_wait3A_506 = tpu.memref_slice %arg3[%mul3A_2] : memref<5120xi32, #tpu.memory_space<hbm>> -> memref<160xi32, #tpu.memory_space<hbm>>
      tpu.wait_dma2 semaphore(%run_scoped3A : memref<!tpu.dma_semaphore, #tpu.memory_space<semaphore_mem>>) src(%dma_wait3A_506 : memref<160xi32, #tpu.memory_space<hbm>>) dst(%arg5 : memref<160xi32, #tpu.memory_space<vmem>>)
      tpu.yield
    }) : () -> ()
    %get3A = arith.constant 0 : index
    %get3A_3 = tpu.vector_load %arg5[%get3A] {strides = array<i32>} : memref<160xi32, #tpu.memory_space<vmem>>, vector<16xi32>,
    %get3A_4 = vector.shape_cast %get3A_3 : vector<16xi32> to vector<16xi32>
    %add3A_5 = arith.constant 0 : i32
    %add3A_6 = vector.broadcast %add3A_5 : i32 to vector<16xi32>
    %add3A_7 = arith.addi %get3A_4, %add3A_6 : vector<16xi32>
    %swap3A = arith.constant 0 : index
    %swap3A_8 = tpu.vector_load %arg6[%swap3A] {strides = array<i32>} : memref<640xi32, #tpu.memory_space<vmem>>, vector<16xi32>,
    %swap3A_9 = vector.shape_cast %swap3A_8 : vector<16xi32> to vector<16xi32>
    %swap3A_10 = vector.shape_cast %add3A_7 : vector<16xi32> to vector<16xi32>
    tpu.vector_store %arg6[%swap3A], %swap3A_10 {strides = array<i32>} : memref<640xi32, #tpu.memory_space<vmem>>, vector<16xi32>,
    %get3A_11 = arith.constant 16 : index
    %get3A_12 = tpu.vector_load %arg5[%get3A_11] {strides = array<i32>} : memref<160xi32, #tpu.memory_space<vmem>>, vector<16xi32>,
    %get3A_13 = vector.shape_cast %get3A_12 : vector<16xi32> to vector<16xi32>
    %add3A_14 = arith.constant 0 : i32
    %add3A_15 = vector.broadcast %add3A_14 : i32 to vector<16xi32>
    %add3A_16 = arith.addi %get3A_13, %add3A_15 : vector<16xi32>
    %swap3A_17 = arith.constant 16 : index
    %swap3A_18 = tpu.vector_load %arg6[%swap3A_17] {strides = array<i32>} : memref<640xi32, #tpu.memory_space<vmem>>, vector<16xi32>,
    %swap3A_19 = vector.shape_cast %swap3A_18 : vector<16xi32> to vector<16xi32>
    %swap3A_20 = vector.shape_cast %add3A_16 : vector<16xi32> to vector<16xi32>
    tpu.vector_store %arg6[%swap3A_17], %swap3A_20 {strides = array<i32>} : memref<640xi32, #tpu.memory_space<vmem>>, vector<16xi32>,
    %get3A_21 = arith.constant 32 : index
    %get3A_22 = tpu.vector_load %arg5[%get3A_21] {strides = array<i32>} : memref<160xi32, #tpu.memory_space<vmem>>, vector<16xi32>,
    %get3A_23 = vector.shape_cast %get3A_22 : vector<16xi32> to vector<16xi32>
    %add3A_24 = arith.constant 0 : i32
    %add3A_25 = vector.broadcast %add3A_24 : i32 to vector<16xi32>
    %add3A_26 = arith.addi %get3A_23, %add3A_25 : vector<16xi32>
    %swap3A_27 = arith.constant 32 : index
    %swap3A_28 = tpu.vector_load %arg6[%swap3A_27] {strides = array<i32>} : memref<640xi32, #tpu.memory_space<vmem>>, vector<16xi32>,
    %swap3A_29 = vector.shape_cast %swap3A_28 : vector<16xi32> to vector<16xi32>
    %swap3A_30 = vector.shape_cast %add3A_26 : vector<16xi32> to vector<16xi32>
    tpu.vector_store %arg6[%swap3A_27], %swap3A_30 {strides = array<i32>} : memref<640xi32, #tpu.memory_space<vmem>>, vector<16xi32>,
    %get3A_31 = arith.constant 48 : index
    %get3A_32 = tpu.vector_load %arg5[%get3A_31] {strides = array<i32>} : memref<160xi32, #tpu.memory_space<vmem>>, vector<16xi32>,
    %get3A_33 = vector.shape_cast %get3A_32 : vector<16xi32> to vector<16xi32>
    %add3A_34 = arith.constant 0 : i32
    %add3A_35 = vector.broadcast %add3A_34 : i32 to vector<16xi32>
    %add3A_36 = arith.addi %get3A_33, %add3A_35 : vector<16xi32>
    %swap3A_37 = arith.constant 48 : index
    %swap3A_38 = tpu.vector_load %arg6[%swap3A_37] {strides = array<i32>} : memref<640xi32, #tpu.memory_space<vmem>>, vector<16xi32>,
    %swap3A_39 = vector.shape_cast %swap3A_38 : vector<16xi32> to vector<16xi32>
    %swap3A_40 = vector.shape_cast %add3A_36 : vector<16xi32> to vector<16xi32>
    tpu.vector_store %arg6[%swap3A_37], %swap3A_40 {strides = array<i32>} : memref<640xi32, #tpu.memory_space<vmem>>, vector<16xi32>,
    %get3A_41 = arith.constant 64 : index
    %get3A_42 = tpu.vector_load %arg5[%get3A_41] {strides = array<i32>} : memref<160xi32, #tpu.memory_space<vmem>>, vector<16xi32>,
    %get3A_43 = vector.shape_cast %get3A_42 : vector<16xi32> to vector<16xi32>
    %add3A_44 = arith.constant 0 : i32
    %add3A_45 = vector.broadcast %add3A_44 : i32 to vector<16xi32>
    %add3A_46 = arith.addi %get3A_43, %add3A_45 : vector<16xi32>
    %swap3A_47 = arith.constant 64 : index
    %swap3A_48 = tpu.vector_load %arg6[%swap3A_47] {strides = array<i32>} : memref<640xi32, #tpu.memory_space<vmem>>, vector<16xi32>,
    %swap3A_49 = vector.shape_cast %swap3A_48 : vector<16xi32> to vector<16xi32>
    %swap3A_50 = vector.shape_cast %add3A_46 : vector<16xi32> to vector<16xi32>
    tpu.vector_store %arg6[%swap3A_47], %swap3A_50 {strides = array<i32>} : memref<640xi32, #tpu.memory_space<vmem>>, vector<16xi32>,
    %get3A_51 = arith.constant 80 : index
    %get3A_52 = tpu.vector_load %arg5[%get3A_51] {strides = array<i32>} : memref<160xi32, #tpu.memory_space<vmem>>, vector<16xi32>,
    %get3A_53 = vector.shape_cast %get3A_52 : vector<16xi32> to vector<16xi32>
    %add3A_54 = arith.constant 0 : i32
    %add3A_55 = vector.broadcast %add3A_54 : i32 to vector<16xi32>
    %add3A_56 = arith.addi %get3A_53, %add3A_55 : vector<16xi32>
    %swap3A_57 = arith.constant 80 : index
    %swap3A_58 = tpu.vector_load %arg6[%swap3A_57] {strides = array<i32>} : memref<640xi32, #tpu.memory_space<vmem>>, vector<16xi32>,
    %swap3A_59 = vector.shape_cast %swap3A_58 : vector<16xi32> to vector<16xi32>
    %swap3A_60 = vector.shape_cast %add3A_56 : vector<16xi32> to vector<16xi32>
    tpu.vector_store %arg6[%swap3A_57], %swap3A_60 {strides = array<i32>} : memref<640xi32, #tpu.memory_space<vmem>>, vector<16xi32>,
    %get3A_61 = arith.constant 96 : index
    %get3A_62 = tpu.vector_load %arg5[%get3A_61] {strides = array<i32>} : memref<160xi32, #tpu.memory_space<vmem>>, vector<16xi32>,
    %get3A_63 = vector.shape_cast %get3A_62 : vector<16xi32> to vector<16xi32>
    %add3A_64 = arith.constant 0 : i32
    %add3A_65 = vector.broadcast %add3A_64 : i32 to vector<16xi32>
    %add3A_66 = arith.addi %get3A_63, %add3A_65 : vector<16xi32>
    %swap3A_67 = arith.constant 96 : index
    %swap3A_68 = tpu.vector_load %arg6[%swap3A_67] {strides = array<i32>} : memref<640xi32, #tpu.memory_space<vmem>>, vector<16xi32>,
    %swap3A_69 = vector.shape_cast %swap3A_68 : vector<16xi32> to vector<16xi32>
    %swap3A_70 = vector.shape_cast %add3A_66 : vector<16xi32> to vector<16xi32>
    tpu.vector_store %arg6[%swap3A_67], %swap3A_70 {strides = array<i32>} : memref<640xi32, #tpu.memory_space<vmem>>, vector<16xi32>,
    %get3A_71 = arith.constant 112 : index
    %get3A_72 = tpu.vector_load %arg5[%get3A_71] {strides = array<i32>} : memref<160xi32, #tpu.memory_space<vmem>>, vector<16xi32>,
    %get3A_73 = vector.shape_cast %get3A_72 : vector<16xi32> to vector<16xi32>
    %add3A_74 = arith.constant 0 : i32
    %add3A_75 = vector.broadcast %add3A_74 : i32 to vector<16xi32>
    %add3A_76 = arith.addi %get3A_73, %add3A_75 : vector<16xi32>
    %swap3A_77 = arith.constant 112 : index
    %swap3A_78 = tpu.vector_load %arg6[%swap3A_77] {strides = array<i32>} : memref<640xi32, #tpu.memory_space<vmem>>, vector<16xi32>,
    %swap3A_79 = vector.shape_cast %swap3A_78 : vector<16xi32> to vector<16xi32>
    %swap3A_80 = vector.shape_cast %add3A_76 : vector<16xi32> to vector<16xi32>
    tpu.vector_store %arg6[%swap3A_77], %swap3A_80 {strides = array<i32>} : memref<640xi32, #tpu.memory_space<vmem>>, vector<16xi32>,
    %get3A_81 = arith.constant 128 : index
    %get3A_82 = tpu.vector_load %arg5[%get3A_81] {strides = array<i32>} : memref<160xi32, #tpu.memory_space<vmem>>, vector<16xi32>,
    %get3A_83 = vector.shape_cast %get3A_82 : vector<16xi32> to vector<16xi32>
    %add3A_84 = arith.constant 0 : i32
    %add3A_85 = vector.broadcast %add3A_84 : i32 to vector<16xi32>
    %add3A_86 = arith.addi %get3A_83, %add3A_85 : vector<16xi32>
    %swap3A_87 = arith.constant 128 : index
    %swap3A_88 = tpu.vector_load %arg6[%swap3A_87] {strides = array<i32>} : memref<640xi32, #tpu.memory_space<vmem>>, vector<16xi32>,
    %swap3A_89 = vector.shape_cast %swap3A_88 : vector<16xi32> to vector<16xi32>
    %swap3A_90 = vector.shape_cast %add3A_86 : vector<16xi32> to vector<16xi32>
    tpu.vector_store %arg6[%swap3A_87], %swap3A_90 {strides = array<i32>} : memref<640xi32, #tpu.memory_space<vmem>>, vector<16xi32>,
    %get3A_91 = arith.constant 144 : index
    %get3A_92 = tpu.vector_load %arg5[%get3A_91] {strides = array<i32>} : memref<160xi32, #tpu.memory_space<vmem>>, vector<16xi32>,
    %get3A_93 = vector.shape_cast %get3A_92 : vector<16xi32> to vector<16xi32>
    %add3A_94 = arith.constant 0 : i32
    %add3A_95 = vector.broadcast %add3A_94 : i32 to vector<16xi32>
    %add3A_96 = arith.addi %get3A_93, %add3A_95 : vector<16xi32>
    %swap3A_97 = arith.constant 144 : index
    %swap3A_98 = tpu.vector_load %arg6[%swap3A_97] {strides = array<i32>} : memref<640xi32, #tpu.memory_space<vmem>>, vector<16xi32>,
    %swap3A_99 = vector.shape_cast %swap3A_98 : vector<16xi32> to vector<16xi32>
    %swap3A_100 = vector.shape_cast %add3A_96 : vector<16xi32> to vector<16xi32>
    tpu.vector_store %arg6[%swap3A_97], %swap3A_100 {strides = array<i32>} : memref<640xi32, #tpu.memory_space<vmem>>, vector<16xi32>,
    %get3A_101 = arith.constant 0 : index
    %get3A_102 = tpu.vector_load %arg5[%get3A_101] {strides = array<i32>} : memref<160xi32, #tpu.memory_space<vmem>>, vector<16xi32>,
    %get3A_103 = vector.shape_cast %get3A_102 : vector<16xi32> to vector<16xi32>
    %add3A_104 = arith.constant 5120 : i32
    %add3A_105 = vector.broadcast %add3A_104 : i32 to vector<16xi32>
    %add3A_106 = arith.addi %get3A_103, %add3A_105 : vector<16xi32>
    %swap3A_107 = arith.constant 160 : index
    %swap3A_108 = tpu.vector_load %arg6[%swap3A_107] {strides = array<i32>} : memref<640xi32, #tpu.memory_space<vmem>>, vector<16xi32>,
    %swap3A_109 = vector.shape_cast %swap3A_108 : vector<16xi32> to vector<16xi32>
    %swap3A_110 = vector.shape_cast %add3A_106 : vector<16xi32> to vector<16xi32>
    tpu.vector_store %arg6[%swap3A_107], %swap3A_110 {strides = array<i32>} : memref<640xi32, #tpu.memory_space<vmem>>, vector<16xi32>,
    %get3A_111 = arith.constant 16 : index
    %get3A_112 = tpu.vector_load %arg5[%get3A_111] {strides = array<i32>} : memref<160xi32, #tpu.memory_space<vmem>>, vector<16xi32>,
    %get3A_113 = vector.shape_cast %get3A_112 : vector<16xi32> to vector<16xi32>
    %add3A_114 = arith.constant 5120 : i32
    %add3A_115 = vector.broadcast %add3A_114 : i32 to vector<16xi32>
    %add3A_116 = arith.addi %get3A_113, %add3A_115 : vector<16xi32>
    %swap3A_117 = arith.constant 176 : index
    %swap3A_118 = tpu.vector_load %arg6[%swap3A_117] {strides = array<i32>} : memref<640xi32, #tpu.memory_space<vmem>>, vector<16xi32>,
    %swap3A_119 = vector.shape_cast %swap3A_118 : vector<16xi32> to vector<16xi32>
    %swap3A_120 = vector.shape_cast %add3A_116 : vector<16xi32> to vector<16xi32>
    tpu.vector_store %arg6[%swap3A_117], %swap3A_120 {strides = array<i32>} : memref<640xi32, #tpu.memory_space<vmem>>, vector<16xi32>,
    %get3A_121 = arith.constant 32 : index
    %get3A_122 = tpu.vector_load %arg5[%get3A_121] {strides = array<i32>} : memref<160xi32, #tpu.memory_space<vmem>>, vector<16xi32>,
    %get3A_123 = vector.shape_cast %get3A_122 : vector<16xi32> to vector<16xi32>
    %add3A_124 = arith.constant 5120 : i32
    %add3A_125 = vector.broadcast %add3A_124 : i32 to vector<16xi32>
    %add3A_126 = arith.addi %get3A_123, %add3A_125 : vector<16xi32>
    %swap3A_127 = arith.constant 192 : index
    %swap3A_128 = tpu.vector_load %arg6[%swap3A_127] {strides = array<i32>} : memref<640xi32, #tpu.memory_space<vmem>>, vector<16xi32>,
    %swap3A_129 = vector.shape_cast %swap3A_128 : vector<16xi32> to vector<16xi32>
    %swap3A_130 = vector.shape_cast %add3A_126 : vector<16xi32> to vector<16xi32>
    tpu.vector_store %arg6[%swap3A_127], %swap3A_130 {strides = array<i32>} : memref<640xi32, #tpu.memory_space<vmem>>, vector<16xi32>,
    %get3A_131 = arith.constant 48 : index
    %get3A_132 = tpu.vector_load %arg5[%get3A_131] {strides = array<i32>} : memref<160xi32, #tpu.memory_space<vmem>>, vector<16xi32>,
    %get3A_133 = vector.shape_cast %get3A_132 : vector<16xi32> to vector<16xi32>
    %add3A_134 = arith.constant 5120 : i32
    %add3A_135 = vector.broadcast %add3A_134 : i32 to vector<16xi32>
    %add3A_136 = arith.addi %get3A_133, %add3A_135 : vector<16xi32>
    %swap3A_137 = arith.constant 208 : index
    %swap3A_138 = tpu.vector_load %arg6[%swap3A_137] {strides = array<i32>} : memref<640xi32, #tpu.memory_space<vmem>>, vector<16xi32>,
    %swap3A_139 = vector.shape_cast %swap3A_138 : vector<16xi32> to vector<16xi32>
    %swap3A_140 = vector.shape_cast %add3A_136 : vector<16xi32> to vector<16xi32>
    tpu.vector_store %arg6[%swap3A_137], %swap3A_140 {strides = array<i32>} : memref<640xi32, #tpu.memory_space<vmem>>, vector<16xi32>,
    %get3A_141 = arith.constant 64 : index
    %get3A_142 = tpu.vector_load %arg5[%get3A_141] {strides = array<i32>} : memref<160xi32, #tpu.memory_space<vmem>>, vector<16xi32>,
    %get3A_143 = vector.shape_cast %get3A_142 : vector<16xi32> to vector<16xi32>
    %add3A_144 = arith.constant 5120 : i32
    %add3A_145 = vector.broadcast %add3A_144 : i32 to vector<16xi32>
    %add3A_146 = arith.addi %get3A_143, %add3A_145 : vector<16xi32>
    %swap3A_147 = arith.constant 224 : index
    %swap3A_148 = tpu.vector_load %arg6[%swap3A_147] {strides = array<i32>} : memref<640xi32, #tpu.memory_space<vmem>>, vector<16xi32>,
    %swap3A_149 = vector.shape_cast %swap3A_148 : vector<16xi32> to vector<16xi32>
    %swap3A_150 = vector.shape_cast %add3A_146 : vector<16xi32> to vector<16xi32>
    tpu.vector_store %arg6[%swap3A_147], %swap3A_150 {strides = array<i32>} : memref<640xi32, #tpu.memory_space<vmem>>, vector<16xi32>,
    %get3A_151 = arith.constant 80 : index
    %get3A_152 = tpu.vector_load %arg5[%get3A_151] {strides = array<i32>} : memref<160xi32, #tpu.memory_space<vmem>>, vector<16xi32>,
    %get3A_153 = vector.shape_cast %get3A_152 : vector<16xi32> to vector<16xi32>
    %add3A_154 = arith.constant 5120 : i32
    %add3A_155 = vector.broadcast %add3A_154 : i32 to vector<16xi32>
    %add3A_156 = arith.addi %get3A_153, %add3A_155 : vector<16xi32>
    %swap3A_157 = arith.constant 240 : index
    %swap3A_158 = tpu.vector_load %arg6[%swap3A_157] {strides = array<i32>} : memref<640xi32, #tpu.memory_space<vmem>>, vector<16xi32>,
    %swap3A_159 = vector.shape_cast %swap3A_158 : vector<16xi32> to vector<16xi32>
    %swap3A_160 = vector.shape_cast %add3A_156 : vector<16xi32> to vector<16xi32>
    tpu.vector_store %arg6[%swap3A_157], %swap3A_160 {strides = array<i32>} : memref<640xi32, #tpu.memory_space<vmem>>, vector<16xi32>,
    %get3A_161 = arith.constant 96 : index
    %get3A_162 = tpu.vector_load %arg5[%get3A_161] {strides = array<i32>} : memref<160xi32, #tpu.memory_space<vmem>>, vector<16xi32>,
    %get3A_163 = vector.shape_cast %get3A_162 : vector<16xi32> to vector<16xi32>
    %add3A_164 = arith.constant 5120 : i32
    %add3A_165 = vector.broadcast %add3A_164 : i32 to vector<16xi32>
    %add3A_166 = arith.addi %get3A_163, %add3A_165 : vector<16xi32>
    %swap3A_167 = arith.constant 256 : index
    %swap3A_168 = tpu.vector_load %arg6[%swap3A_167] {strides = array<i32>} : memref<640xi32, #tpu.memory_space<vmem>>, vector<16xi32>,
    %swap3A_169 = vector.shape_cast %swap3A_168 : vector<16xi32> to vector<16xi32>
    %swap3A_170 = vector.shape_cast %add3A_166 : vector<16xi32> to vector<16xi32>
    tpu.vector_store %arg6[%swap3A_167], %swap3A_170 {strides = array<i32>} : memref<640xi32, #tpu.memory_space<vmem>>, vector<16xi32>,
    %get3A_171 = arith.constant 112 : index
    %get3A_172 = tpu.vector_load %arg5[%get3A_171] {strides = array<i32>} : memref<160xi32, #tpu.memory_space<vmem>>, vector<16xi32>,
    %get3A_173 = vector.shape_cast %get3A_172 : vector<16xi32> to vector<16xi32>
    %add3A_174 = arith.constant 5120 : i32
    %add3A_175 = vector.broadcast %add3A_174 : i32 to vector<16xi32>
    %add3A_176 = arith.addi %get3A_173, %add3A_175 : vector<16xi32>
    %swap3A_177 = arith.constant 272 : index
    %swap3A_178 = tpu.vector_load %arg6[%swap3A_177] {strides = array<i32>} : memref<640xi32, #tpu.memory_space<vmem>>, vector<16xi32>,
    %swap3A_179 = vector.shape_cast %swap3A_178 : vector<16xi32> to vector<16xi32>
    %swap3A_180 = vector.shape_cast %add3A_176 : vector<16xi32> to vector<16xi32>
    tpu.vector_store %arg6[%swap3A_177], %swap3A_180 {strides = array<i32>} : memref<640xi32, #tpu.memory_space<vmem>>, vector<16xi32>,
    %get3A_181 = arith.constant 128 : index
    %get3A_182 = tpu.vector_load %arg5[%get3A_181] {strides = array<i32>} : memref<160xi32, #tpu.memory_space<vmem>>, vector<16xi32>,
    %get3A_183 = vector.shape_cast %get3A_182 : vector<16xi32> to vector<16xi32>
    %add3A_184 = arith.constant 5120 : i32
    %add3A_185 = vector.broadcast %add3A_184 : i32 to vector<16xi32>
    %add3A_186 = arith.addi %get3A_183, %add3A_185 : vector<16xi32>
    %swap3A_187 = arith.constant 288 : index
    %swap3A_188 = tpu.vector_load %arg6[%swap3A_187] {strides = array<i32>} : memref<640xi32, #tpu.memory_space<vmem>>, vector<16xi32>,
    %swap3A_189 = vector.shape_cast %swap3A_188 : vector<16xi32> to vector<16xi32>
    %swap3A_190 = vector.shape_cast %add3A_186 : vector<16xi32> to vector<16xi32>
    tpu.vector_store %arg6[%swap3A_187], %swap3A_190 {strides = array<i32>} : memref<640xi32, #tpu.memory_space<vmem>>, vector<16xi32>,
    %get3A_191 = arith.constant 144 : index
    %get3A_192 = tpu.vector_load %arg5[%get3A_191] {strides = array<i32>} : memref<160xi32, #tpu.memory_space<vmem>>, vector<16xi32>,
    %get3A_193 = vector.shape_cast %get3A_192 : vector<16xi32> to vector<16xi32>
    %add3A_194 = arith.constant 5120 : i32
    %add3A_195 = vector.broadcast %add3A_194 : i32 to vector<16xi32>
    %add3A_196 = arith.addi %get3A_193, %add3A_195 : vector<16xi32>
    %swap3A_197 = arith.constant 304 : index
    %swap3A_198 = tpu.vector_load %arg6[%swap3A_197] {strides = array<i32>} : memref<640xi32, #tpu.memory_space<vmem>>, vector<16xi32>,
    %swap3A_199 = vector.shape_cast %swap3A_198 : vector<16xi32> to vector<16xi32>
    %swap3A_200 = vector.shape_cast %add3A_196 : vector<16xi32> to vector<16xi32>
    tpu.vector_store %arg6[%swap3A_197], %swap3A_200 {strides = array<i32>} : memref<640xi32, #tpu.memory_space<vmem>>, vector<16xi32>,
    %get3A_201 = arith.constant 0 : index
    %get3A_202 = tpu.vector_load %arg5[%get3A_201] {strides = array<i32>} : memref<160xi32, #tpu.memory_space<vmem>>, vector<16xi32>,
    %get3A_203 = vector.shape_cast %get3A_202 : vector<16xi32> to vector<16xi32>
    %add3A_204 = arith.constant 10240 : i32
    %add3A_205 = vector.broadcast %add3A_204 : i32 to vector<16xi32>
    %add3A_206 = arith.addi %get3A_203, %add3A_205 : vector<16xi32>
    %swap3A_207 = arith.constant 320 : index
    %swap3A_208 = tpu.vector_load %arg6[%swap3A_207] {strides = array<i32>} : memref<640xi32, #tpu.memory_space<vmem>>, vector<16xi32>,
    %swap3A_209 = vector.shape_cast %swap3A_208 : vector<16xi32> to vector<16xi32>
    %swap3A_210 = vector.shape_cast %add3A_206 : vector<16xi32> to vector<16xi32>
    tpu.vector_store %arg6[%swap3A_207], %swap3A_210 {strides = array<i32>} : memref<640xi32, #tpu.memory_space<vmem>>, vector<16xi32>,
    %get3A_211 = arith.constant 16 : index
    %get3A_212 = tpu.vector_load %arg5[%get3A_211] {strides = array<i32>} : memref<160xi32, #tpu.memory_space<vmem>>, vector<16xi32>,
    %get3A_213 = vector.shape_cast %get3A_212 : vector<16xi32> to vector<16xi32>
    %add3A_214 = arith.constant 10240 : i32
    %add3A_215 = vector.broadcast %add3A_214 : i32 to vector<16xi32>
    %add3A_216 = arith.addi %get3A_213, %add3A_215 : vector<16xi32>
    %swap3A_217 = arith.constant 336 : index
    %swap3A_218 = tpu.vector_load %arg6[%swap3A_217] {strides = array<i32>} : memref<640xi32, #tpu.memory_space<vmem>>, vector<16xi32>,
    %swap3A_219 = vector.shape_cast %swap3A_218 : vector<16xi32> to vector<16xi32>
    %swap3A_220 = vector.shape_cast %add3A_216 : vector<16xi32> to vector<16xi32>
    tpu.vector_store %arg6[%swap3A_217], %swap3A_220 {strides = array<i32>} : memref<640xi32, #tpu.memory_space<vmem>>, vector<16xi32>,
    %get3A_221 = arith.constant 32 : index
    %get3A_222 = tpu.vector_load %arg5[%get3A_221] {strides = array<i32>} : memref<160xi32, #tpu.memory_space<vmem>>, vector<16xi32>,
    %get3A_223 = vector.shape_cast %get3A_222 : vector<16xi32> to vector<16xi32>
    %add3A_224 = arith.constant 10240 : i32
    %add3A_225 = vector.broadcast %add3A_224 : i32 to vector<16xi32>
    %add3A_226 = arith.addi %get3A_223, %add3A_225 : vector<16xi32>
    %swap3A_227 = arith.constant 352 : index
    %swap3A_228 = tpu.vector_load %arg6[%swap3A_227] {strides = array<i32>} : memref<640xi32, #tpu.memory_space<vmem>>, vector<16xi32>,
    %swap3A_229 = vector.shape_cast %swap3A_228 : vector<16xi32> to vector<16xi32>
    %swap3A_230 = vector.shape_cast %add3A_226 : vector<16xi32> to vector<16xi32>
    tpu.vector_store %arg6[%swap3A_227], %swap3A_230 {strides = array<i32>} : memref<640xi32, #tpu.memory_space<vmem>>, vector<16xi32>,
    %get3A_231 = arith.constant 48 : index
    %get3A_232 = tpu.vector_load %arg5[%get3A_231] {strides = array<i32>} : memref<160xi32, #tpu.memory_space<vmem>>, vector<16xi32>,
    %get3A_233 = vector.shape_cast %get3A_232 : vector<16xi32> to vector<16xi32>
    %add3A_234 = arith.constant 10240 : i32
    %add3A_235 = vector.broadcast %add3A_234 : i32 to vector<16xi32>
    %add3A_236 = arith.addi %get3A_233, %add3A_235 : vector<16xi32>
    %swap3A_237 = arith.constant 368 : index
    %swap3A_238 = tpu.vector_load %arg6[%swap3A_237] {strides = array<i32>} : memref<640xi32, #tpu.memory_space<vmem>>, vector<16xi32>,
    %swap3A_239 = vector.shape_cast %swap3A_238 : vector<16xi32> to vector<16xi32>
    %swap3A_240 = vector.shape_cast %add3A_236 : vector<16xi32> to vector<16xi32>
    tpu.vector_store %arg6[%swap3A_237], %swap3A_240 {strides = array<i32>} : memref<640xi32, #tpu.memory_space<vmem>>, vector<16xi32>,
    %get3A_241 = arith.constant 64 : index
    %get3A_242 = tpu.vector_load %arg5[%get3A_241] {strides = array<i32>} : memref<160xi32, #tpu.memory_space<vmem>>, vector<16xi32>,
    %get3A_243 = vector.shape_cast %get3A_242 : vector<16xi32> to vector<16xi32>
    %add3A_244 = arith.constant 10240 : i32
    %add3A_245 = vector.broadcast %add3A_244 : i32 to vector<16xi32>
    %add3A_246 = arith.addi %get3A_243, %add3A_245 : vector<16xi32>
    %swap3A_247 = arith.constant 384 : index
    %swap3A_248 = tpu.vector_load %arg6[%swap3A_247] {strides = array<i32>} : memref<640xi32, #tpu.memory_space<vmem>>, vector<16xi32>,
    %swap3A_249 = vector.shape_cast %swap3A_248 : vector<16xi32> to vector<16xi32>
    %swap3A_250 = vector.shape_cast %add3A_246 : vector<16xi32> to vector<16xi32>
    tpu.vector_store %arg6[%swap3A_247], %swap3A_250 {strides = array<i32>} : memref<640xi32, #tpu.memory_space<vmem>>, vector<16xi32>,
    %get3A_251 = arith.constant 80 : index
    %get3A_252 = tpu.vector_load %arg5[%get3A_251] {strides = array<i32>} : memref<160xi32, #tpu.memory_space<vmem>>, vector<16xi32>,
    %get3A_253 = vector.shape_cast %get3A_252 : vector<16xi32> to vector<16xi32>
    %add3A_254 = arith.constant 10240 : i32
    %add3A_255 = vector.broadcast %add3A_254 : i32 to vector<16xi32>
    %add3A_256 = arith.addi %get3A_253, %add3A_255 : vector<16xi32>
    %swap3A_257 = arith.constant 400 : index
    %swap3A_258 = tpu.vector_load %arg6[%swap3A_257] {strides = array<i32>} : memref<640xi32, #tpu.memory_space<vmem>>, vector<16xi32>,
    %swap3A_259 = vector.shape_cast %swap3A_258 : vector<16xi32> to vector<16xi32>
    %swap3A_260 = vector.shape_cast %add3A_256 : vector<16xi32> to vector<16xi32>
    tpu.vector_store %arg6[%swap3A_257], %swap3A_260 {strides = array<i32>} : memref<640xi32, #tpu.memory_space<vmem>>, vector<16xi32>,
    %get3A_261 = arith.constant 96 : index
    %get3A_262 = tpu.vector_load %arg5[%get3A_261] {strides = array<i32>} : memref<160xi32, #tpu.memory_space<vmem>>, vector<16xi32>,
    %get3A_263 = vector.shape_cast %get3A_262 : vector<16xi32> to vector<16xi32>
    %add3A_264 = arith.constant 10240 : i32
    %add3A_265 = vector.broadcast %add3A_264 : i32 to vector<16xi32>
    %add3A_266 = arith.addi %get3A_263, %add3A_265 : vector<16xi32>
    %swap3A_267 = arith.constant 416 : index
    %swap3A_268 = tpu.vector_load %arg6[%swap3A_267] {strides = array<i32>} : memref<640xi32, #tpu.memory_space<vmem>>, vector<16xi32>,
    %swap3A_269 = vector.shape_cast %swap3A_268 : vector<16xi32> to vector<16xi32>
    %swap3A_270 = vector.shape_cast %add3A_266 : vector<16xi32> to vector<16xi32>
    tpu.vector_store %arg6[%swap3A_267], %swap3A_270 {strides = array<i32>} : memref<640xi32, #tpu.memory_space<vmem>>, vector<16xi32>,
    %get3A_271 = arith.constant 112 : index
    %get3A_272 = tpu.vector_load %arg5[%get3A_271] {strides = array<i32>} : memref<160xi32, #tpu.memory_space<vmem>>, vector<16xi32>,
    %get3A_273 = vector.shape_cast %get3A_272 : vector<16xi32> to vector<16xi32>
    %add3A_274 = arith.constant 10240 : i32
    %add3A_275 = vector.broadcast %add3A_274 : i32 to vector<16xi32>
    %add3A_276 = arith.addi %get3A_273, %add3A_275 : vector<16xi32>
    %swap3A_277 = arith.constant 432 : index
    %swap3A_278 = tpu.vector_load %arg6[%swap3A_277] {strides = array<i32>} : memref<640xi32, #tpu.memory_space<vmem>>, vector<16xi32>,
    %swap3A_279 = vector.shape_cast %swap3A_278 : vector<16xi32> to vector<16xi32>
    %swap3A_280 = vector.shape_cast %add3A_276 : vector<16xi32> to vector<16xi32>
    tpu.vector_store %arg6[%swap3A_277], %swap3A_280 {strides = array<i32>} : memref<640xi32, #tpu.memory_space<vmem>>, vector<16xi32>,
    %get3A_281 = arith.constant 128 : index
    %get3A_282 = tpu.vector_load %arg5[%get3A_281] {strides = array<i32>} : memref<160xi32, #tpu.memory_space<vmem>>, vector<16xi32>,
    %get3A_283 = vector.shape_cast %get3A_282 : vector<16xi32> to vector<16xi32>
    %add3A_284 = arith.constant 10240 : i32
    %add3A_285 = vector.broadcast %add3A_284 : i32 to vector<16xi32>
    %add3A_286 = arith.addi %get3A_283, %add3A_285 : vector<16xi32>
    %swap3A_287 = arith.constant 448 : index
    %swap3A_288 = tpu.vector_load %arg6[%swap3A_287] {strides = array<i32>} : memref<640xi32, #tpu.memory_space<vmem>>, vector<16xi32>,
    %swap3A_289 = vector.shape_cast %swap3A_288 : vector<16xi32> to vector<16xi32>
    %swap3A_290 = vector.shape_cast %add3A_286 : vector<16xi32> to vector<16xi32>
    tpu.vector_store %arg6[%swap3A_287], %swap3A_290 {strides = array<i32>} : memref<640xi32, #tpu.memory_space<vmem>>, vector<16xi32>,
    %get3A_291 = arith.constant 144 : index
    %get3A_292 = tpu.vector_load %arg5[%get3A_291] {strides = array<i32>} : memref<160xi32, #tpu.memory_space<vmem>>, vector<16xi32>,
    %get3A_293 = vector.shape_cast %get3A_292 : vector<16xi32> to vector<16xi32>
    %add3A_294 = arith.constant 10240 : i32
    %add3A_295 = vector.broadcast %add3A_294 : i32 to vector<16xi32>
    %add3A_296 = arith.addi %get3A_293, %add3A_295 : vector<16xi32>
    %swap3A_297 = arith.constant 464 : index
    %swap3A_298 = tpu.vector_load %arg6[%swap3A_297] {strides = array<i32>} : memref<640xi32, #tpu.memory_space<vmem>>, vector<16xi32>,
    %swap3A_299 = vector.shape_cast %swap3A_298 : vector<16xi32> to vector<16xi32>
    %swap3A_300 = vector.shape_cast %add3A_296 : vector<16xi32> to vector<16xi32>
    tpu.vector_store %arg6[%swap3A_297], %swap3A_300 {strides = array<i32>} : memref<640xi32, #tpu.memory_space<vmem>>, vector<16xi32>,
    %get3A_301 = arith.constant 0 : index
    %get3A_302 = tpu.vector_load %arg5[%get3A_301] {strides = array<i32>} : memref<160xi32, #tpu.memory_space<vmem>>, vector<16xi32>,
    %get3A_303 = vector.shape_cast %get3A_302 : vector<16xi32> to vector<16xi32>
    %add3A_304 = arith.constant 15360 : i32
    %add3A_305 = vector.broadcast %add3A_304 : i32 to vector<16xi32>
    %add3A_306 = arith.addi %get3A_303, %add3A_305 : vector<16xi32>
    %swap3A_307 = arith.constant 480 : index
    %swap3A_308 = tpu.vector_load %arg6[%swap3A_307] {strides = array<i32>} : memref<640xi32, #tpu.memory_space<vmem>>, vector<16xi32>,
    %swap3A_309 = vector.shape_cast %swap3A_308 : vector<16xi32> to vector<16xi32>
    %swap3A_310 = vector.shape_cast %add3A_306 : vector<16xi32> to vector<16xi32>
    tpu.vector_store %arg6[%swap3A_307], %swap3A_310 {strides = array<i32>} : memref<640xi32, #tpu.memory_space<vmem>>, vector<16xi32>,
    %get3A_311 = arith.constant 16 : index
    %get3A_312 = tpu.vector_load %arg5[%get3A_311] {strides = array<i32>} : memref<160xi32, #tpu.memory_space<vmem>>, vector<16xi32>,
    %get3A_313 = vector.shape_cast %get3A_312 : vector<16xi32> to vector<16xi32>
    %add3A_314 = arith.constant 15360 : i32
    %add3A_315 = vector.broadcast %add3A_314 : i32 to vector<16xi32>
    %add3A_316 = arith.addi %get3A_313, %add3A_315 : vector<16xi32>
    %swap3A_317 = arith.constant 496 : index
    %swap3A_318 = tpu.vector_load %arg6[%swap3A_317] {strides = array<i32>} : memref<640xi32, #tpu.memory_space<vmem>>, vector<16xi32>,
    %swap3A_319 = vector.shape_cast %swap3A_318 : vector<16xi32> to vector<16xi32>
    %swap3A_320 = vector.shape_cast %add3A_316 : vector<16xi32> to vector<16xi32>
    tpu.vector_store %arg6[%swap3A_317], %swap3A_320 {strides = array<i32>} : memref<640xi32, #tpu.memory_space<vmem>>, vector<16xi32>,
    %get3A_321 = arith.constant 32 : index
    %get3A_322 = tpu.vector_load %arg5[%get3A_321] {strides = array<i32>} : memref<160xi32, #tpu.memory_space<vmem>>, vector<16xi32>,
    %get3A_323 = vector.shape_cast %get3A_322 : vector<16xi32> to vector<16xi32>
    %add3A_324 = arith.constant 15360 : i32
    %add3A_325 = vector.broadcast %add3A_324 : i32 to vector<16xi32>
    %add3A_326 = arith.addi %get3A_323, %add3A_325 : vector<16xi32>
    %swap3A_327 = arith.constant 512 : index
    %swap3A_328 = tpu.vector_load %arg6[%swap3A_327] {strides = array<i32>} : memref<640xi32, #tpu.memory_space<vmem>>, vector<16xi32>,
    %swap3A_329 = vector.shape_cast %swap3A_328 : vector<16xi32> to vector<16xi32>
    %swap3A_330 = vector.shape_cast %add3A_326 : vector<16xi32> to vector<16xi32>
    tpu.vector_store %arg6[%swap3A_327], %swap3A_330 {strides = array<i32>} : memref<640xi32, #tpu.memory_space<vmem>>, vector<16xi32>,
    %get3A_331 = arith.constant 48 : index
    %get3A_332 = tpu.vector_load %arg5[%get3A_331] {strides = array<i32>} : memref<160xi32, #tpu.memory_space<vmem>>, vector<16xi32>,
    %get3A_333 = vector.shape_cast %get3A_332 : vector<16xi32> to vector<16xi32>
    %add3A_334 = arith.constant 15360 : i32
    %add3A_335 = vector.broadcast %add3A_334 : i32 to vector<16xi32>
    %add3A_336 = arith.addi %get3A_333, %add3A_335 : vector<16xi32>
    %swap3A_337 = arith.constant 528 : index
    %swap3A_338 = tpu.vector_load %arg6[%swap3A_337] {strides = array<i32>} : memref<640xi32, #tpu.memory_space<vmem>>, vector<16xi32>,
    %swap3A_339 = vector.shape_cast %swap3A_338 : vector<16xi32> to vector<16xi32>
    %swap3A_340 = vector.shape_cast %add3A_336 : vector<16xi32> to vector<16xi32>
    tpu.vector_store %arg6[%swap3A_337], %swap3A_340 {strides = array<i32>} : memref<640xi32, #tpu.memory_space<vmem>>, vector<16xi32>,
    %get3A_341 = arith.constant 64 : index
    %get3A_342 = tpu.vector_load %arg5[%get3A_341] {strides = array<i32>} : memref<160xi32, #tpu.memory_space<vmem>>, vector<16xi32>,
    %get3A_343 = vector.shape_cast %get3A_342 : vector<16xi32> to vector<16xi32>
    %add3A_344 = arith.constant 15360 : i32
    %add3A_345 = vector.broadcast %add3A_344 : i32 to vector<16xi32>
    %add3A_346 = arith.addi %get3A_343, %add3A_345 : vector<16xi32>
    %swap3A_347 = arith.constant 544 : index
    %swap3A_348 = tpu.vector_load %arg6[%swap3A_347] {strides = array<i32>} : memref<640xi32, #tpu.memory_space<vmem>>, vector<16xi32>,
    %swap3A_349 = vector.shape_cast %swap3A_348 : vector<16xi32> to vector<16xi32>
    %swap3A_350 = vector.shape_cast %add3A_346 : vector<16xi32> to vector<16xi32>
    tpu.vector_store %arg6[%swap3A_347], %swap3A_350 {strides = array<i32>} : memref<640xi32, #tpu.memory_space<vmem>>, vector<16xi32>,
    %get3A_351 = arith.constant 80 : index
    %get3A_352 = tpu.vector_load %arg5[%get3A_351] {strides = array<i32>} : memref<160xi32, #tpu.memory_space<vmem>>, vector<16xi32>,
    %get3A_353 = vector.shape_cast %get3A_352 : vector<16xi32> to vector<16xi32>
    %add3A_354 = arith.constant 15360 : i32
    %add3A_355 = vector.broadcast %add3A_354 : i32 to vector<16xi32>
    %add3A_356 = arith.addi %get3A_353, %add3A_355 : vector<16xi32>
    %swap3A_357 = arith.constant 560 : index
    %swap3A_358 = tpu.vector_load %arg6[%swap3A_357] {strides = array<i32>} : memref<640xi32, #tpu.memory_space<vmem>>, vector<16xi32>,
    %swap3A_359 = vector.shape_cast %swap3A_358 : vector<16xi32> to vector<16xi32>
    %swap3A_360 = vector.shape_cast %add3A_356 : vector<16xi32> to vector<16xi32>
    tpu.vector_store %arg6[%swap3A_357], %swap3A_360 {strides = array<i32>} : memref<640xi32, #tpu.memory_space<vmem>>, vector<16xi32>,
    %get3A_361 = arith.constant 96 : index
    %get3A_362 = tpu.vector_load %arg5[%get3A_361] {strides = array<i32>} : memref<160xi32, #tpu.memory_space<vmem>>, vector<16xi32>,
    %get3A_363 = vector.shape_cast %get3A_362 : vector<16xi32> to vector<16xi32>
    %add3A_364 = arith.constant 15360 : i32
    %add3A_365 = vector.broadcast %add3A_364 : i32 to vector<16xi32>
    %add3A_366 = arith.addi %get3A_363, %add3A_365 : vector<16xi32>
    %swap3A_367 = arith.constant 576 : index
    %swap3A_368 = tpu.vector_load %arg6[%swap3A_367] {strides = array<i32>} : memref<640xi32, #tpu.memory_space<vmem>>, vector<16xi32>,
    %swap3A_369 = vector.shape_cast %swap3A_368 : vector<16xi32> to vector<16xi32>
    %swap3A_370 = vector.shape_cast %add3A_366 : vector<16xi32> to vector<16xi32>
    tpu.vector_store %arg6[%swap3A_367], %swap3A_370 {strides = array<i32>} : memref<640xi32, #tpu.memory_space<vmem>>, vector<16xi32>,
    %get3A_371 = arith.constant 112 : index
    %get3A_372 = tpu.vector_load %arg5[%get3A_371] {strides = array<i32>} : memref<160xi32, #tpu.memory_space<vmem>>, vector<16xi32>,
    %get3A_373 = vector.shape_cast %get3A_372 : vector<16xi32> to vector<16xi32>
    %add3A_374 = arith.constant 15360 : i32
    %add3A_375 = vector.broadcast %add3A_374 : i32 to vector<16xi32>
    %add3A_376 = arith.addi %get3A_373, %add3A_375 : vector<16xi32>
    %swap3A_377 = arith.constant 592 : index
    %swap3A_378 = tpu.vector_load %arg6[%swap3A_377] {strides = array<i32>} : memref<640xi32, #tpu.memory_space<vmem>>, vector<16xi32>,
    %swap3A_379 = vector.shape_cast %swap3A_378 : vector<16xi32> to vector<16xi32>
    %swap3A_380 = vector.shape_cast %add3A_376 : vector<16xi32> to vector<16xi32>
    tpu.vector_store %arg6[%swap3A_377], %swap3A_380 {strides = array<i32>} : memref<640xi32, #tpu.memory_space<vmem>>, vector<16xi32>,
    %get3A_381 = arith.constant 128 : index
    %get3A_382 = tpu.vector_load %arg5[%get3A_381] {strides = array<i32>} : memref<160xi32, #tpu.memory_space<vmem>>, vector<16xi32>,
    %get3A_383 = vector.shape_cast %get3A_382 : vector<16xi32> to vector<16xi32>
    %add3A_384 = arith.constant 15360 : i32
    %add3A_385 = vector.broadcast %add3A_384 : i32 to vector<16xi32>
    %add3A_386 = arith.addi %get3A_383, %add3A_385 : vector<16xi32>
    %swap3A_387 = arith.constant 608 : index
    %swap3A_388 = tpu.vector_load %arg6[%swap3A_387] {strides = array<i32>} : memref<640xi32, #tpu.memory_space<vmem>>, vector<16xi32>,
    %swap3A_389 = vector.shape_cast %swap3A_388 : vector<16xi32> to vector<16xi32>
    %swap3A_390 = vector.shape_cast %add3A_386 : vector<16xi32> to vector<16xi32>
    tpu.vector_store %arg6[%swap3A_387], %swap3A_390 {strides = array<i32>} : memref<640xi32, #tpu.memory_space<vmem>>, vector<16xi32>,
    %get3A_391 = arith.constant 144 : index
    %get3A_392 = tpu.vector_load %arg5[%get3A_391] {strides = array<i32>} : memref<160xi32, #tpu.memory_space<vmem>>, vector<16xi32>,
    %get3A_393 = vector.shape_cast %get3A_392 : vector<16xi32> to vector<16xi32>
    %add3A_394 = arith.constant 15360 : i32
    %add3A_395 = vector.broadcast %add3A_394 : i32 to vector<16xi32>
    %add3A_396 = arith.addi %get3A_393, %add3A_395 : vector<16xi32>
    %swap3A_397 = arith.constant 624 : index
    %swap3A_398 = tpu.vector_load %arg6[%swap3A_397] {strides = array<i32>} : memref<640xi32, #tpu.memory_space<vmem>>, vector<16xi32>,
    %swap3A_399 = vector.shape_cast %swap3A_398 : vector<16xi32> to vector<16xi32>
    %swap3A_400 = vector.shape_cast %add3A_396 : vector<16xi32> to vector<16xi32>
    tpu.vector_store %arg6[%swap3A_397], %swap3A_400 {strides = array<i32>} : memref<640xi32, #tpu.memory_space<vmem>>, vector<16xi32>,
    %dma_start3A = arith.constant 0 : i32
    %dma_start3A_401 = tpu.memref_slice %arg7[%dma_start3A] : memref<640xf32, #tpu.memory_space<vmem>> -> memref<80xf32, #tpu.memory_space<vmem>>
    %dma_start3A_402 = arith.constant 0 : i32
    %dma_start3A_403 = tpu.memref_slice %arg6[%dma_start3A_402] : memref<640xi32, #tpu.memory_space<vmem>> -> memref<80xi32, #tpu.memory_space<vmem>>
    %dma_start3A_404 = arith.constant 0 : i32
    %dma_start3A_405 = tpu.memref_slice %arg2[%dma_start3A_404] : memref<20480xf32, #tpu.memory_space<hbm>> -> memref<20480xf32, #tpu.memory_space<hbm>>
    tpu.enqueue_indirect_dma source(%dma_start3A_405 : memref<20480xf32, #tpu.memory_space<hbm>>) target(%dma_start3A_401 : memref<80xf32, #tpu.memory_space<vmem>>) offsets(%dma_start3A_403 : memref<80xi32, #tpu.memory_space<vmem>>) semaphore(%arg8 : memref<!tpu.dma_semaphore, #tpu.memory_space<semaphore_mem>>)
    %dma_start3A_406 = arith.constant 80 : i32
    %dma_start3A_407 = tpu.memref_slice %arg7[%dma_start3A_406] : memref<640xf32, #tpu.memory_space<vmem>> -> memref<80xf32, #tpu.memory_space<vmem>>
    %dma_start3A_408 = arith.constant 80 : i32
    %dma_start3A_409 = tpu.memref_slice %arg6[%dma_start3A_408] : memref<640xi32, #tpu.memory_space<vmem>> -> memref<80xi32, #tpu.memory_space<vmem>>
    %dma_start3A_410 = arith.constant 0 : i32
    %dma_start3A_411 = tpu.memref_slice %arg2[%dma_start3A_410] : memref<20480xf32, #tpu.memory_space<hbm>> -> memref<20480xf32, #tpu.memory_space<hbm>>
    tpu.enqueue_indirect_dma source(%dma_start3A_411 : memref<20480xf32, #tpu.memory_space<hbm>>) target(%dma_start3A_407 : memref<80xf32, #tpu.memory_space<vmem>>) offsets(%dma_start3A_409 : memref<80xi32, #tpu.memory_space<vmem>>) semaphore(%arg8 : memref<!tpu.dma_semaphore, #tpu.memory_space<semaphore_mem>>)
    %dma_start3A_412 = arith.constant 160 : i32
    %dma_start3A_413 = tpu.memref_slice %arg7[%dma_start3A_412] : memref<640xf32, #tpu.memory_space<vmem>> -> memref<80xf32, #tpu.memory_space<vmem>>
    %dma_start3A_414 = arith.constant 160 : i32
    %dma_start3A_415 = tpu.memref_slice %arg6[%dma_start3A_414] : memref<640xi32, #tpu.memory_space<vmem>> -> memref<80xi32, #tpu.memory_space<vmem>>
    %dma_start3A_416 = arith.constant 0 : i32
    %dma_start3A_417 = tpu.memref_slice %arg2[%dma_start3A_416] : memref<20480xf32, #tpu.memory_space<hbm>> -> memref<20480xf32, #tpu.memory_space<hbm>>
    tpu.enqueue_indirect_dma source(%dma_start3A_417 : memref<20480xf32, #tpu.memory_space<hbm>>) target(%dma_start3A_413 : memref<80xf32, #tpu.memory_space<vmem>>) offsets(%dma_start3A_415 : memref<80xi32, #tpu.memory_space<vmem>>) semaphore(%arg8 : memref<!tpu.dma_semaphore, #tpu.memory_space<semaphore_mem>>)
    %dma_start3A_418 = arith.constant 240 : i32
    %dma_start3A_419 = tpu.memref_slice %arg7[%dma_start3A_418] : memref<640xf32, #tpu.memory_space<vmem>> -> memref<80xf32, #tpu.memory_space<vmem>>
    %dma_start3A_420 = arith.constant 240 : i32
    %dma_start3A_421 = tpu.memref_slice %arg6[%dma_start3A_420] : memref<640xi32, #tpu.memory_space<vmem>> -> memref<80xi32, #tpu.memory_space<vmem>>
    %dma_start3A_422 = arith.constant 0 : i32
    %dma_start3A_423 = tpu.memref_slice %arg2[%dma_start3A_422] : memref<20480xf32, #tpu.memory_space<hbm>> -> memref<20480xf32, #tpu.memory_space<hbm>>
    tpu.enqueue_indirect_dma source(%dma_start3A_423 : memref<20480xf32, #tpu.memory_space<hbm>>) target(%dma_start3A_419 : memref<80xf32, #tpu.memory_space<vmem>>) offsets(%dma_start3A_421 : memref<80xi32, #tpu.memory_space<vmem>>) semaphore(%arg8 : memref<!tpu.dma_semaphore, #tpu.memory_space<semaphore_mem>>)
    %dma_start3A_424 = arith.constant 320 : i32
    %dma_start3A_425 = tpu.memref_slice %arg7[%dma_start3A_424] : memref<640xf32, #tpu.memory_space<vmem>> -> memref<80xf32, #tpu.memory_space<vmem>>
    %dma_start3A_426 = arith.constant 320 : i32
    %dma_start3A_427 = tpu.memref_slice %arg6[%dma_start3A_426] : memref<640xi32, #tpu.memory_space<vmem>> -> memref<80xi32, #tpu.memory_space<vmem>>
    %dma_start3A_428 = arith.constant 0 : i32
    %dma_start3A_429 = tpu.memref_slice %arg2[%dma_start3A_428] : memref<20480xf32, #tpu.memory_space<hbm>> -> memref<20480xf32, #tpu.memory_space<hbm>>
    tpu.enqueue_indirect_dma source(%dma_start3A_429 : memref<20480xf32, #tpu.memory_space<hbm>>) target(%dma_start3A_425 : memref<80xf32, #tpu.memory_space<vmem>>) offsets(%dma_start3A_427 : memref<80xi32, #tpu.memory_space<vmem>>) semaphore(%arg8 : memref<!tpu.dma_semaphore, #tpu.memory_space<semaphore_mem>>)
    %dma_start3A_430 = arith.constant 400 : i32
    %dma_start3A_431 = tpu.memref_slice %arg7[%dma_start3A_430] : memref<640xf32, #tpu.memory_space<vmem>> -> memref<80xf32, #tpu.memory_space<vmem>>
    %dma_start3A_432 = arith.constant 400 : i32
    %dma_start3A_433 = tpu.memref_slice %arg6[%dma_start3A_432] : memref<640xi32, #tpu.memory_space<vmem>> -> memref<80xi32, #tpu.memory_space<vmem>>
    %dma_start3A_434 = arith.constant 0 : i32
    %dma_start3A_435 = tpu.memref_slice %arg2[%dma_start3A_434] : memref<20480xf32, #tpu.memory_space<hbm>> -> memref<20480xf32, #tpu.memory_space<hbm>>
    tpu.enqueue_indirect_dma source(%dma_start3A_435 : memref<20480xf32, #tpu.memory_space<hbm>>) target(%dma_start3A_431 : memref<80xf32, #tpu.memory_space<vmem>>) offsets(%dma_start3A_433 : memref<80xi32, #tpu.memory_space<vmem>>) semaphore(%arg8 : memref<!tpu.dma_semaphore, #tpu.memory_space<semaphore_mem>>)
    %dma_start3A_436 = arith.constant 480 : i32
    %dma_start3A_437 = tpu.memref_slice %arg7[%dma_start3A_436] : memref<640xf32, #tpu.memory_space<vmem>> -> memref<80xf32, #tpu.memory_space<vmem>>
    %dma_start3A_438 = arith.constant 480 : i32
    %dma_start3A_439 = tpu.memref_slice %arg6[%dma_start3A_438] : memref<640xi32, #tpu.memory_space<vmem>> -> memref<80xi32, #tpu.memory_space<vmem>>
    %dma_start3A_440 = arith.constant 0 : i32
    %dma_start3A_441 = tpu.memref_slice %arg2[%dma_start3A_440] : memref<20480xf32, #tpu.memory_space<hbm>> -> memref<20480xf32, #tpu.memory_space<hbm>>
    tpu.enqueue_indirect_dma source(%dma_start3A_441 : memref<20480xf32, #tpu.memory_space<hbm>>) target(%dma_start3A_437 : memref<80xf32, #tpu.memory_space<vmem>>) offsets(%dma_start3A_439 : memref<80xi32, #tpu.memory_space<vmem>>) semaphore(%arg8 : memref<!tpu.dma_semaphore, #tpu.memory_space<semaphore_mem>>)
    %dma_start3A_442 = arith.constant 560 : i32
    %dma_start3A_443 = tpu.memref_slice %arg7[%dma_start3A_442] : memref<640xf32, #tpu.memory_space<vmem>> -> memref<80xf32, #tpu.memory_space<vmem>>
    %dma_start3A_444 = arith.constant 560 : i32
    %dma_start3A_445 = tpu.memref_slice %arg6[%dma_start3A_444] : memref<640xi32, #tpu.memory_space<vmem>> -> memref<80xi32, #tpu.memory_space<vmem>>
    %dma_start3A_446 = arith.constant 0 : i32
    %dma_start3A_447 = tpu.memref_slice %arg2[%dma_start3A_446] : memref<20480xf32, #tpu.memory_space<hbm>> -> memref<20480xf32, #tpu.memory_space<hbm>>
    tpu.enqueue_indirect_dma source(%dma_start3A_447 : memref<20480xf32, #tpu.memory_space<hbm>>) target(%dma_start3A_443 : memref<80xf32, #tpu.memory_space<vmem>>) offsets(%dma_start3A_445 : memref<80xi32, #tpu.memory_space<vmem>>) semaphore(%arg8 : memref<!tpu.dma_semaphore, #tpu.memory_space<semaphore_mem>>)
    %dma_wait3A = arith.constant 0 : i32
    %dma_wait3A_448 = tpu.memref_slice %arg7[%dma_wait3A] : memref<640xf32, #tpu.memory_space<vmem>> -> memref<80xf32, #tpu.memory_space<vmem>>
    %dma_wait3A_449 = arith.constant 0 : i32
    %dma_wait3A_450 = tpu.memref_slice %arg6[%dma_wait3A_449] : memref<640xi32, #tpu.memory_space<vmem>> -> memref<80xi32, #tpu.memory_space<vmem>>
    %dma_wait3A_451 = arith.constant 0 : i32
    %dma_wait3A_452 = tpu.memref_slice %arg2[%dma_wait3A_451] : memref<20480xf32, #tpu.memory_space<hbm>> -> memref<20480xf32, #tpu.memory_space<hbm>>
    tpu.wait_indirect_dma semaphore(%arg8 : memref<!tpu.dma_semaphore, #tpu.memory_space<semaphore_mem>>) src(%dma_wait3A_452 : memref<20480xf32, #tpu.memory_space<hbm>>) dst(%dma_wait3A_448 : memref<80xf32, #tpu.memory_space<vmem>>)
    %dma_wait3A_453 = arith.constant 80 : i32
    %dma_wait3A_454 = tpu.memref_slice %arg7[%dma_wait3A_453] : memref<640xf32, #tpu.memory_space<vmem>> -> memref<80xf32, #tpu.memory_space<vmem>>
    %dma_wait3A_455 = arith.constant 80 : i32
    %dma_wait3A_456 = tpu.memref_slice %arg6[%dma_wait3A_455] : memref<640xi32, #tpu.memory_space<vmem>> -> memref<80xi32, #tpu.memory_space<vmem>>
    %dma_wait3A_457 = arith.constant 0 : i32
    %dma_wait3A_458 = tpu.memref_slice %arg2[%dma_wait3A_457] : memref<20480xf32, #tpu.memory_space<hbm>> -> memref<20480xf32, #tpu.memory_space<hbm>>
    tpu.wait_indirect_dma semaphore(%arg8 : memref<!tpu.dma_semaphore, #tpu.memory_space<semaphore_mem>>) src(%dma_wait3A_458 : memref<20480xf32, #tpu.memory_space<hbm>>) dst(%dma_wait3A_454 : memref<80xf32, #tpu.memory_space<vmem>>)
    %dma_wait3A_459 = arith.constant 160 : i32
    %dma_wait3A_460 = tpu.memref_slice %arg7[%dma_wait3A_459] : memref<640xf32, #tpu.memory_space<vmem>> -> memref<80xf32, #tpu.memory_space<vmem>>
    %dma_wait3A_461 = arith.constant 160 : i32
    %dma_wait3A_462 = tpu.memref_slice %arg6[%dma_wait3A_461] : memref<640xi32, #tpu.memory_space<vmem>> -> memref<80xi32, #tpu.memory_space<vmem>>
    %dma_wait3A_463 = arith.constant 0 : i32
    %dma_wait3A_464 = tpu.memref_slice %arg2[%dma_wait3A_463] : memref<20480xf32, #tpu.memory_space<hbm>> -> memref<20480xf32, #tpu.memory_space<hbm>>
    tpu.wait_indirect_dma semaphore(%arg8 : memref<!tpu.dma_semaphore, #tpu.memory_space<semaphore_mem>>) src(%dma_wait3A_464 : memref<20480xf32, #tpu.memory_space<hbm>>) dst(%dma_wait3A_460 : memref<80xf32, #tpu.memory_space<vmem>>)
    %dma_wait3A_465 = arith.constant 240 : i32
    %dma_wait3A_466 = tpu.memref_slice %arg7[%dma_wait3A_465] : memref<640xf32, #tpu.memory_space<vmem>> -> memref<80xf32, #tpu.memory_space<vmem>>
    %dma_wait3A_467 = arith.constant 240 : i32
    %dma_wait3A_468 = tpu.memref_slice %arg6[%dma_wait3A_467] : memref<640xi32, #tpu.memory_space<vmem>> -> memref<80xi32, #tpu.memory_space<vmem>>
    %dma_wait3A_469 = arith.constant 0 : i32
    %dma_wait3A_470 = tpu.memref_slice %arg2[%dma_wait3A_469] : memref<20480xf32, #tpu.memory_space<hbm>> -> memref<20480xf32, #tpu.memory_space<hbm>>
    tpu.wait_indirect_dma semaphore(%arg8 : memref<!tpu.dma_semaphore, #tpu.memory_space<semaphore_mem>>) src(%dma_wait3A_470 : memref<20480xf32, #tpu.memory_space<hbm>>) dst(%dma_wait3A_466 : memref<80xf32, #tpu.memory_space<vmem>>)
    %dma_wait3A_471 = arith.constant 320 : i32
    %dma_wait3A_472 = tpu.memref_slice %arg7[%dma_wait3A_471] : memref<640xf32, #tpu.memory_space<vmem>> -> memref<80xf32, #tpu.memory_space<vmem>>
    %dma_wait3A_473 = arith.constant 320 : i32
    %dma_wait3A_474 = tpu.memref_slice %arg6[%dma_wait3A_473] : memref<640xi32, #tpu.memory_space<vmem>> -> memref<80xi32, #tpu.memory_space<vmem>>
    %dma_wait3A_475 = arith.constant 0 : i32
    %dma_wait3A_476 = tpu.memref_slice %arg2[%dma_wait3A_475] : memref<20480xf32, #tpu.memory_space<hbm>> -> memref<20480xf32, #tpu.memory_space<hbm>>
    tpu.wait_indirect_dma semaphore(%arg8 : memref<!tpu.dma_semaphore, #tpu.memory_space<semaphore_mem>>) src(%dma_wait3A_476 : memref<20480xf32, #tpu.memory_space<hbm>>) dst(%dma_wait3A_472 : memref<80xf32, #tpu.memory_space<vmem>>)
    %dma_wait3A_477 = arith.constant 400 : i32
    %dma_wait3A_478 = tpu.memref_slice %arg7[%dma_wait3A_477] : memref<640xf32, #tpu.memory_space<vmem>> -> memref<80xf32, #tpu.memory_space<vmem>>
    %dma_wait3A_479 = arith.constant 400 : i32
    %dma_wait3A_480 = tpu.memref_slice %arg6[%dma_wait3A_479] : memref<640xi32, #tpu.memory_space<vmem>> -> memref<80xi32, #tpu.memory_space<vmem>>
    %dma_wait3A_481 = arith.constant 0 : i32
    %dma_wait3A_482 = tpu.memref_slice %arg2[%dma_wait3A_481] : memref<20480xf32, #tpu.memory_space<hbm>> -> memref<20480xf32, #tpu.memory_space<hbm>>
    tpu.wait_indirect_dma semaphore(%arg8 : memref<!tpu.dma_semaphore, #tpu.memory_space<semaphore_mem>>) src(%dma_wait3A_482 : memref<20480xf32, #tpu.memory_space<hbm>>) dst(%dma_wait3A_478 : memref<80xf32, #tpu.memory_space<vmem>>)
    %dma_wait3A_483 = arith.constant 480 : i32
    %dma_wait3A_484 = tpu.memref_slice %arg7[%dma_wait3A_483] : memref<640xf32, #tpu.memory_space<vmem>> -> memref<80xf32, #tpu.memory_space<vmem>>
    %dma_wait3A_485 = arith.constant 480 : i32
    %dma_wait3A_486 = tpu.memref_slice %arg6[%dma_wait3A_485] : memref<640xi32, #tpu.memory_space<vmem>> -> memref<80xi32, #tpu.memory_space<vmem>>
    %dma_wait3A_487 = arith.constant 0 : i32
    %dma_wait3A_488 = tpu.memref_slice %arg2[%dma_wait3A_487] : memref<20480xf32, #tpu.memory_space<hbm>> -> memref<20480xf32, #tpu.memory_space<hbm>>
    tpu.wait_indirect_dma semaphore(%arg8 : memref<!tpu.dma_semaphore, #tpu.memory_space<semaphore_mem>>) src(%dma_wait3A_488 : memref<20480xf32, #tpu.memory_space<hbm>>) dst(%dma_wait3A_484 : memref<80xf32, #tpu.memory_space<vmem>>)
    %dma_wait3A_489 = arith.constant 560 : i32
    %dma_wait3A_490 = tpu.memref_slice %arg7[%dma_wait3A_489] : memref<640xf32, #tpu.memory_space<vmem>> -> memref<80xf32, #tpu.memory_space<vmem>>
    %dma_wait3A_491 = arith.constant 560 : i32
    %dma_wait3A_492 = tpu.memref_slice %arg6[%dma_wait3A_491] : memref<640xi32, #tpu.memory_space<vmem>> -> memref<80xi32, #tpu.memory_space<vmem>>
    %dma_wait3A_493 = arith.constant 0 : i32
    %dma_wait3A_494 = tpu.memref_slice %arg2[%dma_wait3A_493] : memref<20480xf32, #tpu.memory_space<hbm>> -> memref<20480xf32, #tpu.memory_space<hbm>>
    tpu.wait_indirect_dma semaphore(%arg8 : memref<!tpu.dma_semaphore, #tpu.memory_space<semaphore_mem>>) src(%dma_wait3A_494 : memref<20480xf32, #tpu.memory_space<hbm>>) dst(%dma_wait3A_490 : memref<80xf32, #tpu.memory_space<vmem>>)
    %add3A_495 = arith.constant 0 : i32
    %add3A_496 = arith.addi %add3A_495, %mul3A_2 : i32
    "tpu.region"() ({
      %run_scoped3A = tpu.sem_alloc : memref<!tpu.dma_semaphore, #tpu.memory_space<semaphore_mem>>
      %dma_start3A_503 = arith.constant 0 : i32
      %dma_start3A_504 = tpu.memref_slice %arg7[%dma_start3A_503] : memref<640xf32, #tpu.memory_space<vmem>> -> memref<160xf32, #tpu.memory_space<vmem>>
      %dma_start3A_505 = tpu.memref_slice %arg4[%add3A_496] : memref<20480xf32, #tpu.memory_space<hbm>> -> memref<160xf32, #tpu.memory_space<hbm>>
      %dma_start3A_506 = tpu.memref_slice %arg4[%add3A_496] : memref<20480xf32, #tpu.memory_space<hbm>> -> memref<160xf32, #tpu.memory_space<hbm>>
      %dma_start3A_507 = arith.constant 0 : i32
      %dma_start3A_508 = tpu.memref_slice %arg7[%dma_start3A_507] : memref<640xf32, #tpu.memory_space<vmem>> -> memref<160xf32, #tpu.memory_space<vmem>>
      tpu.enqueue_dma source(%dma_start3A_508 : memref<160xf32, #tpu.memory_space<vmem>>) target(%dma_start3A_506 : memref<160xf32, #tpu.memory_space<hbm>>) target_semaphore(%run_scoped3A : memref<!tpu.dma_semaphore, #tpu.memory_space<semaphore_mem>>)
      %dma_wait3A_509 = arith.constant 0 : i32
      %dma_wait3A_510 = tpu.memref_slice %arg7[%dma_wait3A_509] : memref<640xf32, #tpu.memory_space<vmem>> -> memref<160xf32, #tpu.memory_space<vmem>>
      %dma_wait3A_511 = tpu.memref_slice %arg4[%add3A_496] : memref<20480xf32, #tpu.memory_space<hbm>> -> memref<160xf32, #tpu.memory_space<hbm>>
      %dma_wait3A_512 = tpu.memref_slice %arg4[%add3A_496] : memref<20480xf32, #tpu.memory_space<hbm>> -> memref<160xf32, #tpu.memory_space<hbm>>
      %dma_wait3A_513 = arith.constant 0 : i32
      %dma_wait3A_514 = tpu.memref_slice %arg7[%dma_wait3A_513] : memref<640xf32, #tpu.memory_space<vmem>> -> memref<160xf32, #tpu.memory_space<vmem>>
      tpu.wait_dma2 semaphore(%run_scoped3A : memref<!tpu.dma_semaphore, #tpu.memory_space<semaphore_mem>>) src(%dma_wait3A_514 : memref<160xf32, #tpu.memory_space<vmem>>) dst(%dma_wait3A_512 : memref<160xf32, #tpu.memory_space<hbm>>)
      tpu.yield
    }) : () -> ()
    %add3A_497 = arith.constant 5120 : i32
    %add3A_498 = arith.addi %add3A_497, %mul3A_2 : i32
    "tpu.region"() ({
      %run_scoped3A = tpu.sem_alloc : memref<!tpu.dma_semaphore, #tpu.memory_space<semaphore_mem>>
      %dma_start3A_503 = arith.constant 160 : i32
      %dma_start3A_504 = tpu.memref_slice %arg7[%dma_start3A_503] : memref<640xf32, #tpu.memory_space<vmem>> -> memref<160xf32, #tpu.memory_space<vmem>>
      %dma_start3A_505 = tpu.memref_slice %arg4[%add3A_498] : memref<20480xf32, #tpu.memory_space<hbm>> -> memref<160xf32, #tpu.memory_space<hbm>>
      %dma_start3A_506 = tpu.memref_slice %arg4[%add3A_498] : memref<20480xf32, #tpu.memory_space<hbm>> -> memref<160xf32, #tpu.memory_space<hbm>>
      %dma_start3A_507 = arith.constant 160 : i32
      %dma_start3A_508 = tpu.memref_slice %arg7[%dma_start3A_507] : memref<640xf32, #tpu.memory_space<vmem>> -> memref<160xf32, #tpu.memory_space<vmem>>
      tpu.enqueue_dma source(%dma_start3A_508 : memref<160xf32, #tpu.memory_space<vmem>>) target(%dma_start3A_506 : memref<160xf32, #tpu.memory_space<hbm>>) target_semaphore(%run_scoped3A : memref<!tpu.dma_semaphore, #tpu.memory_space<semaphore_mem>>)
      %dma_wait3A_509 = arith.constant 160 : i32
      %dma_wait3A_510 = tpu.memref_slice %arg7[%dma_wait3A_509] : memref<640xf32, #tpu.memory_space<vmem>> -> memref<160xf32, #tpu.memory_space<vmem>>
      %dma_wait3A_511 = tpu.memref_slice %arg4[%add3A_498] : memref<20480xf32, #tpu.memory_space<hbm>> -> memref<160xf32, #tpu.memory_space<hbm>>
      %dma_wait3A_512 = tpu.memref_slice %arg4[%add3A_498] : memref<20480xf32, #tpu.memory_space<hbm>> -> memref<160xf32, #tpu.memory_space<hbm>>
      %dma_wait3A_513 = arith.constant 160 : i32
      %dma_wait3A_514 = tpu.memref_slice %arg7[%dma_wait3A_513] : memref<640xf32, #tpu.memory_space<vmem>> -> memref<160xf32, #tpu.memory_space<vmem>>
      tpu.wait_dma2 semaphore(%run_scoped3A : memref<!tpu.dma_semaphore, #tpu.memory_space<semaphore_mem>>) src(%dma_wait3A_514 : memref<160xf32, #tpu.memory_space<vmem>>) dst(%dma_wait3A_512 : memref<160xf32, #tpu.memory_space<hbm>>)
      tpu.yield
    }) : () -> ()
    %add3A_499 = arith.constant 10240 : i32
    %add3A_500 = arith.addi %add3A_499, %mul3A_2 : i32
    "tpu.region"() ({
      %run_scoped3A = tpu.sem_alloc : memref<!tpu.dma_semaphore, #tpu.memory_space<semaphore_mem>>
      %dma_start3A_503 = arith.constant 320 : i32
      %dma_start3A_504 = tpu.memref_slice %arg7[%dma_start3A_503] : memref<640xf32, #tpu.memory_space<vmem>> -> memref<160xf32, #tpu.memory_space<vmem>>
      %dma_start3A_505 = tpu.memref_slice %arg4[%add3A_500] : memref<20480xf32, #tpu.memory_space<hbm>> -> memref<160xf32, #tpu.memory_space<hbm>>
      %dma_start3A_506 = tpu.memref_slice %arg4[%add3A_500] : memref<20480xf32, #tpu.memory_space<hbm>> -> memref<160xf32, #tpu.memory_space<hbm>>
      %dma_start3A_507 = arith.constant 320 : i32
      %dma_start3A_508 = tpu.memref_slice %arg7[%dma_start3A_507] : memref<640xf32, #tpu.memory_space<vmem>> -> memref<160xf32, #tpu.memory_space<vmem>>
      tpu.enqueue_dma source(%dma_start3A_508 : memref<160xf32, #tpu.memory_space<vmem>>) target(%dma_start3A_506 : memref<160xf32, #tpu.memory_space<hbm>>) target_semaphore(%run_scoped3A : memref<!tpu.dma_semaphore, #tpu.memory_space<semaphore_mem>>)
      %dma_wait3A_509 = arith.constant 320 : i32
      %dma_wait3A_510 = tpu.memref_slice %arg7[%dma_wait3A_509] : memref<640xf32, #tpu.memory_space<vmem>> -> memref<160xf32, #tpu.memory_space<vmem>>
      %dma_wait3A_511 = tpu.memref_slice %arg4[%add3A_500] : memref<20480xf32, #tpu.memory_space<hbm>> -> memref<160xf32, #tpu.memory_space<hbm>>
      %dma_wait3A_512 = tpu.memref_slice %arg4[%add3A_500] : memref<20480xf32, #tpu.memory_space<hbm>> -> memref<160xf32, #tpu.memory_space<hbm>>
      %dma_wait3A_513 = arith.constant 320 : i32
      %dma_wait3A_514 = tpu.memref_slice %arg7[%dma_wait3A_513] : memref<640xf32, #tpu.memory_space<vmem>> -> memref<160xf32, #tpu.memory_space<vmem>>
      tpu.wait_dma2 semaphore(%run_scoped3A : memref<!tpu.dma_semaphore, #tpu.memory_space<semaphore_mem>>) src(%dma_wait3A_514 : memref<160xf32, #tpu.memory_space<vmem>>) dst(%dma_wait3A_512 : memref<160xf32, #tpu.memory_space<hbm>>)
      tpu.yield
    }) : () -> ()
    %add3A_501 = arith.constant 15360 : i32
    %add3A_502 = arith.addi %add3A_501, %mul3A_2 : i32
    "tpu.region"() ({
      %run_scoped3A = tpu.sem_alloc : memref<!tpu.dma_semaphore, #tpu.memory_space<semaphore_mem>>
      %dma_start3A_503 = arith.constant 480 : i32
      %dma_start3A_504 = tpu.memref_slice %arg7[%dma_start3A_503] : memref<640xf32, #tpu.memory_space<vmem>> -> memref<160xf32, #tpu.memory_space<vmem>>
      %dma_start3A_505 = tpu.memref_slice %arg4[%add3A_502] : memref<20480xf32, #tpu.memory_space<hbm>> -> memref<160xf32, #tpu.memory_space<hbm>>
      %dma_start3A_506 = tpu.memref_slice %arg4[%add3A_502] : memref<20480xf32, #tpu.memory_space<hbm>> -> memref<160xf32, #tpu.memory_space<hbm>>
      %dma_start3A_507 = arith.constant 480 : i32
      %dma_start3A_508 = tpu.memref_slice %arg7[%dma_start3A_507] : memref<640xf32, #tpu.memory_space<vmem>> -> memref<160xf32, #tpu.memory_space<vmem>>
      tpu.enqueue_dma source(%dma_start3A_508 : memref<160xf32, #tpu.memory_space<vmem>>) target(%dma_start3A_506 : memref<160xf32, #tpu.memory_space<hbm>>) target_semaphore(%run_scoped3A : memref<!tpu.dma_semaphore, #tpu.memory_space<semaphore_mem>>)
      %dma_wait3A_509 = arith.constant 480 : i32
      %dma_wait3A_510 = tpu.memref_slice %arg7[%dma_wait3A_509] : memref<640xf32, #tpu.memory_space<vmem>> -> memref<160xf32, #tpu.memory_space<vmem>>
      %dma_wait3A_511 = tpu.memref_slice %arg4[%add3A_502] : memref<20480xf32, #tpu.memory_space<hbm>> -> memref<160xf32, #tpu.memory_space<hbm>>
      %dma_wait3A_512 = tpu.memref_slice %arg4[%add3A_502] : memref<20480xf32, #tpu.memory_space<hbm>> -> memref<160xf32, #tpu.memory_space<hbm>>
      %dma_wait3A_513 = arith.constant 480 : i32
      %dma_wait3A_514 = tpu.memref_slice %arg7[%dma_wait3A_513] : memref<640xf32, #tpu.memory_space<vmem>> -> memref<160xf32, #tpu.memory_space<vmem>>
      tpu.wait_dma2 semaphore(%run_scoped3A : memref<!tpu.dma_semaphore, #tpu.memory_space<semaphore_mem>>) src(%dma_wait3A_514 : memref<160xf32, #tpu.memory_space<vmem>>) dst(%dma_wait3A_512 : memref<160xf32, #tpu.memory_space<hbm>>)
      tpu.yield
    }) : () -> ()
    return
  }
}

module attributes {stable_mosaic.version = 14 : i64} {
  func.func @_nms_body(%arg0: i32, %arg1: memref<4x5120xf32, #tpu.memory_space<vmem>>, %arg2: memref<1000x4xf32, #tpu.memory_space<vmem>>, %arg3: memref<5x1x1024xf32, #tpu.memory_space<vmem>>, %arg4: memref<1x1024xf32, #tpu.memory_space<vmem>>, %arg5: memref<1024x1024xbf16, #tpu.memory_space<vmem>>, %arg6: memref<5x1x1024xf32, #tpu.memory_space<vmem>>, %arg7: memref<5x4x1024xf32, #tpu.memory_space<vmem>>, %arg8: memref<5120x4xf32, #tpu.memory_space<vmem>>) attributes {dimension_semantics = [#tpu.dimension_semantics<arbitrary>], iteration_bounds = array<i64: 5>, scalar_prefetch = 0 : i64, scratch_operands = 6 : i64, tpu.core_type = #tpu.core_type<tc>, window_params = [{pipeline_mode = #tpu.pipeline_mode<synchronous>, transform_indices = @transform_0, window_bounds = array<i64: 4, 5120>}, {pipeline_mode = #tpu.pipeline_mode<synchronous>, transform_indices = @transform_1, window_bounds = array<i64: 1000, 4>}]} {
    %eq3A = arith.constant 0 : i32
    %eq3A_0 = arith.cmpi eq, %arg0, %eq3A : i32
    %convert_element_type3A = arith.extui %eq3A_0 : i1 to i32
    %cond3A = arith.constant 0 : i32
    %cond3A_1 = arith.cmpi ne, %convert_element_type3A, %cond3A : i32
    scf.if %cond3A_1 {
      %get3A_142 = arith.constant 0 : index
      %get3A_143 = arith.constant 0 : index
      %get3A_144 = vector.load %arg1[%get3A_142, %get3A_143] : memref<4x5120xf32, #tpu.memory_space<vmem>>, vector<4x1024xf32>
      %swap3A_145 = arith.constant 0 : index
      %swap3A_146 = arith.constant 0 : index
      %swap3A_147 = arith.constant 0 : index
      %swap3A_148 = vector.load %arg7[%swap3A_145, %swap3A_146, %swap3A_147] : memref<5x4x1024xf32, #tpu.memory_space<vmem>>, vector<1x4x1024xf32>
      %swap3A_149 = vector.shape_cast %swap3A_148 : vector<1x4x1024xf32> to vector<4x1024xf32>
      %swap3A_150 = vector.shape_cast %get3A_144 : vector<4x1024xf32> to vector<1x4x1024xf32>
      tpu.vector_store %arg7[%swap3A_145, %swap3A_146, %swap3A_147], %swap3A_150 {strides = array<i32>} : memref<5x4x1024xf32, #tpu.memory_space<vmem>>, vector<1x4x1024xf32>,
      %transpose3A = tpu.transpose %get3A_144, [1, 0] : vector<4x1024xf32> -> vector<1024x4xf32>
      %swap3A_151 = arith.constant 0 : index
      %swap3A_152 = arith.constant 0 : index
      %swap3A_153 = vector.load %arg8[%swap3A_151, %swap3A_152] : memref<5120x4xf32, #tpu.memory_space<vmem>>, vector<1024x4xf32>
      tpu.vector_store %arg8[%swap3A_151, %swap3A_152], %transpose3A {strides = array<i32>} : memref<5120x4xf32, #tpu.memory_space<vmem>>, vector<1024x4xf32>,
      %iota3A_154 = tpu.iota {dimensions = array<i32: 1>} : vector<1x1024xi32>
      %add3A_155 = arith.constant 0 : i32
      %add3A_156 = vector.broadcast %add3A_155 : i32 to vector<1x1024xi32>
      %add3A_157 = arith.addi %add3A_156, %iota3A_154 : vector<1x1024xi32>
      %lt3A = arith.constant 5000 : i32
      %lt3A_158 = vector.broadcast %lt3A : i32 to vector<1x1024xi32>
      %lt3A_159 = arith.cmpi slt, %add3A_157, %lt3A_158 : vector<1x1024xi32>
      %convert_element_type3A_160 = arith.extui %lt3A_159 : vector<1x1024xi1> to vector<1x1024xi32>
      %convert_element_type3A_161 = arith.sitofp %convert_element_type3A_160 : vector<1x1024xi32> to vector<1x1024xf32>
      %swap3A_162 = arith.constant 0 : index
      %swap3A_163 = arith.constant 0 : index
      %swap3A_164 = arith.constant 0 : index
      %swap3A_165 = vector.load %arg3[%swap3A_162, %swap3A_163, %swap3A_164] : memref<5x1x1024xf32, #tpu.memory_space<vmem>>, vector<1x1x1024xf32>
      %swap3A_166 = vector.shape_cast %swap3A_165 : vector<1x1x1024xf32> to vector<1x1024xf32>
      %swap3A_167 = vector.shape_cast %convert_element_type3A_161 : vector<1x1024xf32> to vector<1x1x1024xf32>
      tpu.vector_store %arg3[%swap3A_162, %swap3A_163, %swap3A_164], %swap3A_167 {strides = array<i32>} : memref<5x1x1024xf32, #tpu.memory_space<vmem>>, vector<1x1x1024xf32>,
      %get3A_168 = arith.constant 0 : index
      %get3A_169 = arith.constant 1024 : index
      %get3A_170 = vector.load %arg1[%get3A_168, %get3A_169] : memref<4x5120xf32, #tpu.memory_space<vmem>>, vector<4x1024xf32>
      %swap3A_171 = arith.constant 1 : index
      %swap3A_172 = arith.constant 0 : index
      %swap3A_173 = arith.constant 0 : index
      %swap3A_174 = vector.load %arg7[%swap3A_171, %swap3A_172, %swap3A_173] : memref<5x4x1024xf32, #tpu.memory_space<vmem>>, vector<1x4x1024xf32>
      %swap3A_175 = vector.shape_cast %swap3A_174 : vector<1x4x1024xf32> to vector<4x1024xf32>
      %swap3A_176 = vector.shape_cast %get3A_170 : vector<4x1024xf32> to vector<1x4x1024xf32>
      tpu.vector_store %arg7[%swap3A_171, %swap3A_172, %swap3A_173], %swap3A_176 {strides = array<i32>} : memref<5x4x1024xf32, #tpu.memory_space<vmem>>, vector<1x4x1024xf32>,
      %transpose3A_177 = tpu.transpose %get3A_170, [1, 0] : vector<4x1024xf32> -> vector<1024x4xf32>
      %swap3A_178 = arith.constant 1024 : index
      %swap3A_179 = arith.constant 0 : index
      %swap3A_180 = vector.load %arg8[%swap3A_178, %swap3A_179] : memref<5120x4xf32, #tpu.memory_space<vmem>>, vector<1024x4xf32>
      tpu.vector_store %arg8[%swap3A_178, %swap3A_179], %transpose3A_177 {strides = array<i32>} : memref<5120x4xf32, #tpu.memory_space<vmem>>, vector<1024x4xf32>,
      %iota3A_181 = tpu.iota {dimensions = array<i32: 1>} : vector<1x1024xi32>
      %add3A_182 = arith.constant 1024 : i32
      %add3A_183 = vector.broadcast %add3A_182 : i32 to vector<1x1024xi32>
      %add3A_184 = arith.addi %add3A_183, %iota3A_181 : vector<1x1024xi32>
      %lt3A_185 = arith.constant 5000 : i32
      %lt3A_186 = vector.broadcast %lt3A_185 : i32 to vector<1x1024xi32>
      %lt3A_187 = arith.cmpi slt, %add3A_184, %lt3A_186 : vector<1x1024xi32>
      %convert_element_type3A_188 = arith.extui %lt3A_187 : vector<1x1024xi1> to vector<1x1024xi32>
      %convert_element_type3A_189 = arith.sitofp %convert_element_type3A_188 : vector<1x1024xi32> to vector<1x1024xf32>
      %swap3A_190 = arith.constant 1 : index
      %swap3A_191 = arith.constant 0 : index
      %swap3A_192 = arith.constant 0 : index
      %swap3A_193 = vector.load %arg3[%swap3A_190, %swap3A_191, %swap3A_192] : memref<5x1x1024xf32, #tpu.memory_space<vmem>>, vector<1x1x1024xf32>
      %swap3A_194 = vector.shape_cast %swap3A_193 : vector<1x1x1024xf32> to vector<1x1024xf32>
      %swap3A_195 = vector.shape_cast %convert_element_type3A_189 : vector<1x1024xf32> to vector<1x1x1024xf32>
      tpu.vector_store %arg3[%swap3A_190, %swap3A_191, %swap3A_192], %swap3A_195 {strides = array<i32>} : memref<5x1x1024xf32, #tpu.memory_space<vmem>>, vector<1x1x1024xf32>,
      %get3A_196 = arith.constant 0 : index
      %get3A_197 = arith.constant 2048 : index
      %get3A_198 = vector.load %arg1[%get3A_196, %get3A_197] : memref<4x5120xf32, #tpu.memory_space<vmem>>, vector<4x1024xf32>
      %swap3A_199 = arith.constant 2 : index
      %swap3A_200 = arith.constant 0 : index
      %swap3A_201 = arith.constant 0 : index
      %swap3A_202 = vector.load %arg7[%swap3A_199, %swap3A_200, %swap3A_201] : memref<5x4x1024xf32, #tpu.memory_space<vmem>>, vector<1x4x1024xf32>
      %swap3A_203 = vector.shape_cast %swap3A_202 : vector<1x4x1024xf32> to vector<4x1024xf32>
      %swap3A_204 = vector.shape_cast %get3A_198 : vector<4x1024xf32> to vector<1x4x1024xf32>
      tpu.vector_store %arg7[%swap3A_199, %swap3A_200, %swap3A_201], %swap3A_204 {strides = array<i32>} : memref<5x4x1024xf32, #tpu.memory_space<vmem>>, vector<1x4x1024xf32>,
      %transpose3A_205 = tpu.transpose %get3A_198, [1, 0] : vector<4x1024xf32> -> vector<1024x4xf32>
      %swap3A_206 = arith.constant 2048 : index
      %swap3A_207 = arith.constant 0 : index
      %swap3A_208 = vector.load %arg8[%swap3A_206, %swap3A_207] : memref<5120x4xf32, #tpu.memory_space<vmem>>, vector<1024x4xf32>
      tpu.vector_store %arg8[%swap3A_206, %swap3A_207], %transpose3A_205 {strides = array<i32>} : memref<5120x4xf32, #tpu.memory_space<vmem>>, vector<1024x4xf32>,
      %iota3A_209 = tpu.iota {dimensions = array<i32: 1>} : vector<1x1024xi32>
      %add3A_210 = arith.constant 2048 : i32
      %add3A_211 = vector.broadcast %add3A_210 : i32 to vector<1x1024xi32>
      %add3A_212 = arith.addi %add3A_211, %iota3A_209 : vector<1x1024xi32>
      %lt3A_213 = arith.constant 5000 : i32
      %lt3A_214 = vector.broadcast %lt3A_213 : i32 to vector<1x1024xi32>
      %lt3A_215 = arith.cmpi slt, %add3A_212, %lt3A_214 : vector<1x1024xi32>
      %convert_element_type3A_216 = arith.extui %lt3A_215 : vector<1x1024xi1> to vector<1x1024xi32>
      %convert_element_type3A_217 = arith.sitofp %convert_element_type3A_216 : vector<1x1024xi32> to vector<1x1024xf32>
      %swap3A_218 = arith.constant 2 : index
      %swap3A_219 = arith.constant 0 : index
      %swap3A_220 = arith.constant 0 : index
      %swap3A_221 = vector.load %arg3[%swap3A_218, %swap3A_219, %swap3A_220] : memref<5x1x1024xf32, #tpu.memory_space<vmem>>, vector<1x1x1024xf32>
      %swap3A_222 = vector.shape_cast %swap3A_221 : vector<1x1x1024xf32> to vector<1x1024xf32>
      %swap3A_223 = vector.shape_cast %convert_element_type3A_217 : vector<1x1024xf32> to vector<1x1x1024xf32>
      tpu.vector_store %arg3[%swap3A_218, %swap3A_219, %swap3A_220], %swap3A_223 {strides = array<i32>} : memref<5x1x1024xf32, #tpu.memory_space<vmem>>, vector<1x1x1024xf32>,
      %get3A_224 = arith.constant 0 : index
      %get3A_225 = arith.constant 3072 : index
      %get3A_226 = vector.load %arg1[%get3A_224, %get3A_225] : memref<4x5120xf32, #tpu.memory_space<vmem>>, vector<4x1024xf32>
      %swap3A_227 = arith.constant 3 : index
      %swap3A_228 = arith.constant 0 : index
      %swap3A_229 = arith.constant 0 : index
      %swap3A_230 = vector.load %arg7[%swap3A_227, %swap3A_228, %swap3A_229] : memref<5x4x1024xf32, #tpu.memory_space<vmem>>, vector<1x4x1024xf32>
      %swap3A_231 = vector.shape_cast %swap3A_230 : vector<1x4x1024xf32> to vector<4x1024xf32>
      %swap3A_232 = vector.shape_cast %get3A_226 : vector<4x1024xf32> to vector<1x4x1024xf32>
      tpu.vector_store %arg7[%swap3A_227, %swap3A_228, %swap3A_229], %swap3A_232 {strides = array<i32>} : memref<5x4x1024xf32, #tpu.memory_space<vmem>>, vector<1x4x1024xf32>,
      %transpose3A_233 = tpu.transpose %get3A_226, [1, 0] : vector<4x1024xf32> -> vector<1024x4xf32>
      %swap3A_234 = arith.constant 3072 : index
      %swap3A_235 = arith.constant 0 : index
      %swap3A_236 = vector.load %arg8[%swap3A_234, %swap3A_235] : memref<5120x4xf32, #tpu.memory_space<vmem>>, vector<1024x4xf32>
      tpu.vector_store %arg8[%swap3A_234, %swap3A_235], %transpose3A_233 {strides = array<i32>} : memref<5120x4xf32, #tpu.memory_space<vmem>>, vector<1024x4xf32>,
      %iota3A_237 = tpu.iota {dimensions = array<i32: 1>} : vector<1x1024xi32>
      %add3A_238 = arith.constant 3072 : i32
      %add3A_239 = vector.broadcast %add3A_238 : i32 to vector<1x1024xi32>
      %add3A_240 = arith.addi %add3A_239, %iota3A_237 : vector<1x1024xi32>
      %lt3A_241 = arith.constant 5000 : i32
      %lt3A_242 = vector.broadcast %lt3A_241 : i32 to vector<1x1024xi32>
      %lt3A_243 = arith.cmpi slt, %add3A_240, %lt3A_242 : vector<1x1024xi32>
      %convert_element_type3A_244 = arith.extui %lt3A_243 : vector<1x1024xi1> to vector<1x1024xi32>
      %convert_element_type3A_245 = arith.sitofp %convert_element_type3A_244 : vector<1x1024xi32> to vector<1x1024xf32>
      %swap3A_246 = arith.constant 3 : index
      %swap3A_247 = arith.constant 0 : index
      %swap3A_248 = arith.constant 0 : index
      %swap3A_249 = vector.load %arg3[%swap3A_246, %swap3A_247, %swap3A_248] : memref<5x1x1024xf32, #tpu.memory_space<vmem>>, vector<1x1x1024xf32>
      %swap3A_250 = vector.shape_cast %swap3A_249 : vector<1x1x1024xf32> to vector<1x1024xf32>
      %swap3A_251 = vector.shape_cast %convert_element_type3A_245 : vector<1x1024xf32> to vector<1x1x1024xf32>
      tpu.vector_store %arg3[%swap3A_246, %swap3A_247, %swap3A_248], %swap3A_251 {strides = array<i32>} : memref<5x1x1024xf32, #tpu.memory_space<vmem>>, vector<1x1x1024xf32>,
      %get3A_252 = arith.constant 0 : index
      %get3A_253 = arith.constant 4096 : index
      %get3A_254 = vector.load %arg1[%get3A_252, %get3A_253] : memref<4x5120xf32, #tpu.memory_space<vmem>>, vector<4x1024xf32>
      %swap3A_255 = arith.constant 4 : index
      %swap3A_256 = arith.constant 0 : index
      %swap3A_257 = arith.constant 0 : index
      %swap3A_258 = vector.load %arg7[%swap3A_255, %swap3A_256, %swap3A_257] : memref<5x4x1024xf32, #tpu.memory_space<vmem>>, vector<1x4x1024xf32>
      %swap3A_259 = vector.shape_cast %swap3A_258 : vector<1x4x1024xf32> to vector<4x1024xf32>
      %swap3A_260 = vector.shape_cast %get3A_254 : vector<4x1024xf32> to vector<1x4x1024xf32>
      tpu.vector_store %arg7[%swap3A_255, %swap3A_256, %swap3A_257], %swap3A_260 {strides = array<i32>} : memref<5x4x1024xf32, #tpu.memory_space<vmem>>, vector<1x4x1024xf32>,
      %transpose3A_261 = tpu.transpose %get3A_254, [1, 0] : vector<4x1024xf32> -> vector<1024x4xf32>
      %swap3A_262 = arith.constant 4096 : index
      %swap3A_263 = arith.constant 0 : index
      %swap3A_264 = vector.load %arg8[%swap3A_262, %swap3A_263] : memref<5120x4xf32, #tpu.memory_space<vmem>>, vector<1024x4xf32>
      tpu.vector_store %arg8[%swap3A_262, %swap3A_263], %transpose3A_261 {strides = array<i32>} : memref<5120x4xf32, #tpu.memory_space<vmem>>, vector<1024x4xf32>,
      %iota3A_265 = tpu.iota {dimensions = array<i32: 1>} : vector<1x1024xi32>
      %add3A_266 = arith.constant 4096 : i32
      %add3A_267 = vector.broadcast %add3A_266 : i32 to vector<1x1024xi32>
      %add3A_268 = arith.addi %add3A_267, %iota3A_265 : vector<1x1024xi32>
      %lt3A_269 = arith.constant 5000 : i32
      %lt3A_270 = vector.broadcast %lt3A_269 : i32 to vector<1x1024xi32>
      %lt3A_271 = arith.cmpi slt, %add3A_268, %lt3A_270 : vector<1x1024xi32>
      %convert_element_type3A_272 = arith.extui %lt3A_271 : vector<1x1024xi1> to vector<1x1024xi32>
      %convert_element_type3A_273 = arith.sitofp %convert_element_type3A_272 : vector<1x1024xi32> to vector<1x1024xf32>
      %swap3A_274 = arith.constant 4 : index
      %swap3A_275 = arith.constant 0 : index
      %swap3A_276 = arith.constant 0 : index
      %swap3A_277 = vector.load %arg3[%swap3A_274, %swap3A_275, %swap3A_276] : memref<5x1x1024xf32, #tpu.memory_space<vmem>>, vector<1x1x1024xf32>
      %swap3A_278 = vector.shape_cast %swap3A_277 : vector<1x1x1024xf32> to vector<1x1024xf32>
      %swap3A_279 = vector.shape_cast %convert_element_type3A_273 : vector<1x1024xf32> to vector<1x1x1024xf32>
      tpu.vector_store %arg3[%swap3A_274, %swap3A_275, %swap3A_276], %swap3A_279 {strides = array<i32>} : memref<5x1x1024xf32, #tpu.memory_space<vmem>>, vector<1x1x1024xf32>,
    } else {
    }
    %mul3A = arith.constant 1024 : i32
    %mul3A_2 = arith.muli %arg0, %mul3A : i32
    %get3A = arith.index_cast %mul3A_2 : i32 to index
    %get3A_3 = arith.constant 0 : index
    %get3A_4 = vector.load %arg8[%get3A, %get3A_3] : memref<5120x4xf32, #tpu.memory_space<vmem>>, vector<1024x1xf32>
    %mul3A_5 = arith.constant 1024 : i32
    %mul3A_6 = arith.muli %arg0, %mul3A_5 : i32
    %get3A_7 = arith.index_cast %mul3A_6 : i32 to index
    %get3A_8 = arith.constant 1 : index
    %get3A_9 = vector.load %arg8[%get3A_7, %get3A_8] : memref<5120x4xf32, #tpu.memory_space<vmem>>, vector<1024x1xf32>
    %mul3A_10 = arith.constant 1024 : i32
    %mul3A_11 = arith.muli %arg0, %mul3A_10 : i32
    %get3A_12 = arith.index_cast %mul3A_11 : i32 to index
    %get3A_13 = arith.constant 2 : index
    %get3A_14 = vector.load %arg8[%get3A_12, %get3A_13] : memref<5120x4xf32, #tpu.memory_space<vmem>>, vector<1024x1xf32>
    %mul3A_15 = arith.constant 1024 : i32
    %mul3A_16 = arith.muli %arg0, %mul3A_15 : i32
    %get3A_17 = arith.index_cast %mul3A_16 : i32 to index
    %get3A_18 = arith.constant 3 : index
    %get3A_19 = vector.load %arg8[%get3A_17, %get3A_18] : memref<5120x4xf32, #tpu.memory_space<vmem>>, vector<1024x1xf32>
    %mul3A_20 = arith.constant 5.000000e-01 : f32
    %mul3A_21 = vector.broadcast %mul3A_20 : f32 to vector<1024x1xf32>
    %mul3A_22 = arith.mulf %mul3A_21, %get3A_14 : vector<1024x1xf32>
    %sub3A = arith.subf %get3A_4, %mul3A_22 : vector<1024x1xf32>
    %mul3A_23 = arith.constant 5.000000e-01 : f32
    %mul3A_24 = vector.broadcast %mul3A_23 : f32 to vector<1024x1xf32>
    %mul3A_25 = arith.mulf %mul3A_24, %get3A_19 : vector<1024x1xf32>
    %sub3A_26 = arith.subf %get3A_9, %mul3A_25 : vector<1024x1xf32>
    %mul3A_27 = arith.constant 5.000000e-01 : f32
    %mul3A_28 = vector.broadcast %mul3A_27 : f32 to vector<1024x1xf32>
    %mul3A_29 = arith.mulf %mul3A_28, %get3A_14 : vector<1024x1xf32>
    %add3A = arith.addf %get3A_4, %mul3A_29 : vector<1024x1xf32>
    %mul3A_30 = arith.constant 5.000000e-01 : f32
    %mul3A_31 = vector.broadcast %mul3A_30 : f32 to vector<1024x1xf32>
    %mul3A_32 = arith.mulf %mul3A_31, %get3A_19 : vector<1024x1xf32>
    %add3A_33 = arith.addf %get3A_9, %mul3A_32 : vector<1024x1xf32>
    %sub3A_34 = arith.subf %add3A, %sub3A : vector<1024x1xf32>
    %sub3A_35 = arith.subf %add3A_33, %sub3A_26 : vector<1024x1xf32>
    %mul3A_36 = arith.mulf %sub3A_34, %sub3A_35 : vector<1024x1xf32>
    %mul3A_37 = arith.constant 1024 : i32
    %mul3A_38 = arith.muli %arg0, %mul3A_37 : i32
    %iota3A = tpu.iota {dimensions = array<i32: 0>} : vector<1024x1xi32>
    %add3A_39 = vector.broadcast %mul3A_38 : i32 to vector<1024x1xi32>
    %add3A_40 = arith.addi %add3A_39, %iota3A : vector<1024x1xi32>
    %get3A_41 = arith.index_cast %arg0 : i32 to index
    %get3A_42 = arith.constant 0 : index
    %get3A_43 = arith.constant 0 : index
    %get3A_44 = vector.load %arg7[%get3A_41, %get3A_42, %get3A_43] : memref<5x4x1024xf32, #tpu.memory_space<vmem>>, vector<1x4x1024xf32>
    %get3A_45 = vector.shape_cast %get3A_44 : vector<1x4x1024xf32> to vector<4x1024xf32>
    %slice3A = vector.extract_strided_slice %get3A_45 {offsets = [0, 0], sizes = [1, 1024], strides = [1, 1]} : vector<4x1024xf32> to vector<1x1024xf32>
    %slice3A_46 = vector.extract_strided_slice %get3A_45 {offsets = [1, 0], sizes = [1, 1024], strides = [1, 1]} : vector<4x1024xf32> to vector<1x1024xf32>
    %slice3A_47 = vector.extract_strided_slice %get3A_45 {offsets = [2, 0], sizes = [1, 1024], strides = [1, 1]} : vector<4x1024xf32> to vector<1x1024xf32>
    %slice3A_48 = vector.extract_strided_slice %get3A_45 {offsets = [3, 0], sizes = [1, 1024], strides = [1, 1]} : vector<4x1024xf32> to vector<1x1024xf32>
    %mul3A_49 = arith.constant 5.000000e-01 : f32
    %mul3A_50 = vector.broadcast %mul3A_49 : f32 to vector<1x1024xf32>
    %mul3A_51 = arith.mulf %mul3A_50, %slice3A_47 : vector<1x1024xf32>
    %sub3A_52 = arith.subf %slice3A, %mul3A_51 : vector<1x1024xf32>
    %mul3A_53 = arith.constant 5.000000e-01 : f32
    %mul3A_54 = vector.broadcast %mul3A_53 : f32 to vector<1x1024xf32>
    %mul3A_55 = arith.mulf %mul3A_54, %slice3A_48 : vector<1x1024xf32>
    %sub3A_56 = arith.subf %slice3A_46, %mul3A_55 : vector<1x1024xf32>
    %mul3A_57 = arith.constant 5.000000e-01 : f32
    %mul3A_58 = vector.broadcast %mul3A_57 : f32 to vector<1x1024xf32>
    %mul3A_59 = arith.mulf %mul3A_58, %slice3A_47 : vector<1x1024xf32>
    %add3A_60 = arith.addf %slice3A, %mul3A_59 : vector<1x1024xf32>
    %mul3A_61 = arith.constant 5.000000e-01 : f32
    %mul3A_62 = vector.broadcast %mul3A_61 : f32 to vector<1x1024xf32>
    %mul3A_63 = arith.mulf %mul3A_62, %slice3A_48 : vector<1x1024xf32>
    %add3A_64 = arith.addf %slice3A_46, %mul3A_63 : vector<1x1024xf32>
    %sub3A_65 = arith.subf %add3A_60, %sub3A_52 : vector<1x1024xf32>
    %sub3A_66 = arith.subf %add3A_64, %sub3A_56 : vector<1x1024xf32>
    %mul3A_67 = arith.mulf %sub3A_65, %sub3A_66 : vector<1x1024xf32>
    %max3A = vector.broadcast %sub3A : vector<1024x1xf32> to vector<1024x1024xf32>
    %max3A_68 = vector.broadcast %sub3A_52 : vector<1x1024xf32> to vector<1024x1024xf32>
    %max3A_69 = arith.maximumf %max3A, %max3A_68 : vector<1024x1024xf32>
    %max3A_70 = vector.broadcast %sub3A_26 : vector<1024x1xf32> to vector<1024x1024xf32>
    %max3A_71 = vector.broadcast %sub3A_56 : vector<1x1024xf32> to vector<1024x1024xf32>
    %max3A_72 = arith.maximumf %max3A_70, %max3A_71 : vector<1024x1024xf32>
    %min3A = vector.broadcast %add3A : vector<1024x1xf32> to vector<1024x1024xf32>
    %min3A_73 = vector.broadcast %add3A_60 : vector<1x1024xf32> to vector<1024x1024xf32>
    %min3A_74 = arith.minimumf %min3A, %min3A_73 : vector<1024x1024xf32>
    %min3A_75 = vector.broadcast %add3A_33 : vector<1024x1xf32> to vector<1024x1024xf32>
    %min3A_76 = vector.broadcast %add3A_64 : vector<1x1024xf32> to vector<1024x1024xf32>
    %min3A_77 = arith.minimumf %min3A_75, %min3A_76 : vector<1024x1024xf32>
    %sub3A_78 = arith.subf %min3A_74, %max3A_69 : vector<1024x1024xf32>
    %max3A_79 = arith.constant 0.000000e+00 : f32
    %max3A_80 = vector.broadcast %max3A_79 : f32 to vector<1024x1024xf32>
    %max3A_81 = arith.maximumf %sub3A_78, %max3A_80 : vector<1024x1024xf32>
    %sub3A_82 = arith.subf %min3A_77, %max3A_72 : vector<1024x1024xf32>
    %max3A_83 = arith.constant 0.000000e+00 : f32
    %max3A_84 = vector.broadcast %max3A_83 : f32 to vector<1024x1024xf32>
    %max3A_85 = arith.maximumf %sub3A_82, %max3A_84 : vector<1024x1024xf32>
    %mul3A_86 = arith.mulf %max3A_81, %max3A_85 : vector<1024x1024xf32>
    %add3A_87 = vector.broadcast %mul3A_36 : vector<1024x1xf32> to vector<1024x1024xf32>
    %add3A_88 = vector.broadcast %mul3A_67 : vector<1x1024xf32> to vector<1024x1024xf32>
    %add3A_89 = arith.addf %add3A_87, %add3A_88 : vector<1024x1024xf32>
    %sub3A_90 = arith.subf %add3A_89, %mul3A_86 : vector<1024x1024xf32>
    %div3A = arith.divf %mul3A_86, %sub3A_90 : vector<1024x1024xf32>
    %gt3A = arith.constant 0.699999988 : f32
    %gt3A_91 = vector.broadcast %gt3A : f32 to vector<1024x1024xf32>
    %gt3A_92 = arith.cmpf ogt, %div3A, %gt3A_91 : vector<1024x1024xf32>
    %mul3A_93 = arith.constant 1024 : i32
    %mul3A_94 = arith.muli %arg0, %mul3A_93 : i32
    %iota3A_95 = tpu.iota {dimensions = array<i32: 1>} : vector<1x1024xi32>
    %add3A_96 = vector.broadcast %mul3A_94 : i32 to vector<1x1024xi32>
    %add3A_97 = arith.addi %add3A_96, %iota3A_95 : vector<1x1024xi32>
    %gt3A_98 = vector.broadcast %add3A_97 : vector<1x1024xi32> to vector<1024x1024xi32>
    %gt3A_99 = vector.broadcast %add3A_40 : vector<1024x1xi32> to vector<1024x1024xi32>
    %gt3A_100 = arith.cmpi sgt, %gt3A_98, %gt3A_99 : vector<1024x1024xi32>
    %and3A = arith.andi %gt3A_92, %gt3A_100 : vector<1024x1024xi1>
    %convert_element_type3A_101 = arith.extui %and3A : vector<1024x1024xi1> to vector<1024x1024xi32>
    %convert_element_type3A_102 = arith.sitofp %convert_element_type3A_101 : vector<1024x1024xi32> to vector<1024x1024xf32>
    %convert_element_type3A_103 = arith.truncf %convert_element_type3A_102 : vector<1024x1024xf32> to vector<1024x1024xbf16>
    %swap3A = arith.constant 0 : index
    %swap3A_104 = arith.constant 0 : index
    %swap3A_105 = vector.load %arg5[%swap3A, %swap3A_104] : memref<1024x1024xbf16, #tpu.memory_space<vmem>>, vector<1024x1024xbf16>
    tpu.vector_store %arg5[%swap3A, %swap3A_104], %convert_element_type3A_103 {strides = array<i32>} : memref<1024x1024xbf16, #tpu.memory_space<vmem>>, vector<1024x1024xbf16>,
    %get3A_106 = arith.index_cast %arg0 : i32 to index
    %get3A_107 = arith.constant 0 : index
    %get3A_108 = arith.constant 0 : index
    %get3A_109 = vector.load %arg3[%get3A_106, %get3A_107, %get3A_108] : memref<5x1x1024xf32, #tpu.memory_space<vmem>>, vector<1x1x1024xf32>
    %get3A_110 = vector.shape_cast %get3A_109 : vector<1x1x1024xf32> to vector<1x1024xf32>
    %swap3A_111 = arith.constant 0 : index
    %swap3A_112 = arith.constant 0 : index
    %swap3A_113 = vector.load %arg4[%swap3A_111, %swap3A_112] : memref<1x1024xf32, #tpu.memory_space<vmem>>, vector<1x1024xf32>
    tpu.vector_store %arg4[%swap3A_111, %swap3A_112], %get3A_110 {strides = array<i32>} : memref<1x1024xf32, #tpu.memory_space<vmem>>, vector<1x1024xf32>,
    %while3A = arith.constant true
    %while3A_114 = scf.while (%while3A_142 = %while3A) : (i1) -> i1 {
      scf.condition(%while3A_142) %while3A_142 : i1
    } do {
    ^bb0(%while3A_142: i1):
      %get3A_143 = arith.constant 0 : index
      %get3A_144 = arith.constant 0 : index
      %get3A_145 = vector.load %arg4[%get3A_143, %get3A_144] : memref<1x1024xf32, #tpu.memory_space<vmem>>, vector<1x1024xf32>
      %convert_element_type3A_146 = arith.truncf %get3A_145 : vector<1x1024xf32> to vector<1x1024xbf16>
      %get3A_147 = arith.constant 0 : index
      %get3A_148 = arith.constant 0 : index
      %get3A_149 = vector.load %arg5[%get3A_147, %get3A_148] : memref<1024x1024xbf16, #tpu.memory_space<vmem>>, vector<1024x1024xbf16>
      %dot_general3A = arith.constant dense<0.000000e+00> : vector<1x1024xf32>
      %dot_general3A_150 = tpu.matmul %convert_element_type3A_146, %get3A_149, %dot_general3A {dimension_numbers = #tpu.dot_dimension_numbers<[1], [0], [0], [1], [0, 0, 1, 1], [], []>, transpose_lhs_hint = false} : vector<1x1024xbf16>, vector<1024x1024xbf16>, vector<1x1024xf32> -> vector<1x1024xf32>
      %eq3A_151 = arith.constant 0.000000e+00 : f32
      %eq3A_152 = vector.broadcast %eq3A_151 : f32 to vector<1x1024xf32>
      %eq3A_153 = arith.cmpf oeq, %dot_general3A_150, %eq3A_152 : vector<1x1024xf32>
      %gt3A_154 = arith.constant 0.000000e+00 : f32
      %gt3A_155 = vector.broadcast %gt3A_154 : f32 to vector<1x1024xf32>
      %gt3A_156 = arith.cmpf ogt, %get3A_110, %gt3A_155 : vector<1x1024xf32>
      %and3A_157 = arith.andi %eq3A_153, %gt3A_156 : vector<1x1024xi1>
      %jit3A = arith.constant 1.000000e+00 : f32
      %jit3A_158 = arith.constant 0.000000e+00 : f32
      %broadcast_in_dim3A = vector.broadcast %jit3A : f32 to vector<1x1024xf32>
      %broadcast_in_dim3A_159 = vector.broadcast %jit3A_158 : f32 to vector<1x1024xf32>
      %select_n3A = arith.select %and3A_157, %broadcast_in_dim3A, %broadcast_in_dim3A_159 : vector<1x1024xi1>, vector<1x1024xf32>
      %swap3A_160 = arith.constant 0 : index
      %swap3A_161 = arith.constant 0 : index
      %swap3A_162 = vector.load %arg4[%swap3A_160, %swap3A_161] : memref<1x1024xf32, #tpu.memory_space<vmem>>, vector<1x1024xf32>
      tpu.vector_store %arg4[%swap3A_160, %swap3A_161], %select_n3A {strides = array<i32>} : memref<1x1024xf32, #tpu.memory_space<vmem>>, vector<1x1024xf32>,
      %ne3A = arith.cmpf one, %select_n3A, %get3A_145 : vector<1x1024xf32>
      %reduce_or3A = arith.constant 1.000000e+00 : f32
      %reduce_or3A_163 = arith.constant 0.000000e+00 : f32
      %reduce_or3A_164 = vector.broadcast %reduce_or3A : f32 to vector<1x1024xf32>
      %reduce_or3A_165 = vector.broadcast %reduce_or3A_163 : f32 to vector<1x1024xf32>
      %reduce_or3A_166 = arith.select %ne3A, %reduce_or3A_164, %reduce_or3A_165 : vector<1x1024xi1>, vector<1x1024xf32>
      %reduce_or3A_167 = vector.shape_cast %reduce_or3A_166 : vector<1x1024xf32> to vector<1x1x1024xf32>
      %reduce_or3A_168 = arith.constant dense<0xFF800000> : vector<1xf32>
      %reduce_or3A_169 = vector.multi_reduction <maximumf>, %reduce_or3A_167, %reduce_or3A_168 [1, 2] : vector<1x1x1024xf32> to vector<1xf32>
      %reduce_or3A_170 = vector.shape_cast %reduce_or3A_169 : vector<1xf32> to vector<1x1x1xf32>
      %reduce_or3A_171 = vector.extract %reduce_or3A_170[0, 0, 0] : f32 from vector<1x1x1xf32>
      %reduce_or3A_172 = arith.constant 0.000000e+00 : f32
      %reduce_or3A_173 = arith.cmpf ogt, %reduce_or3A_171, %reduce_or3A_172 : f32
      scf.yield %reduce_or3A_173 : i1
    }
    %get3A_115 = arith.constant 0 : index
    %get3A_116 = arith.constant 0 : index
    %get3A_117 = vector.load %arg4[%get3A_115, %get3A_116] : memref<1x1024xf32, #tpu.memory_space<vmem>>, vector<1x1024xf32>
    %swap3A_118 = arith.index_cast %arg0 : i32 to index
    %swap3A_119 = arith.constant 0 : index
    %swap3A_120 = arith.constant 0 : index
    %swap3A_121 = vector.load %arg3[%swap3A_118, %swap3A_119, %swap3A_120] : memref<5x1x1024xf32, #tpu.memory_space<vmem>>, vector<1x1x1024xf32>
    %swap3A_122 = vector.shape_cast %swap3A_121 : vector<1x1x1024xf32> to vector<1x1024xf32>
    %swap3A_123 = vector.shape_cast %get3A_117 : vector<1x1024xf32> to vector<1x1x1024xf32>
    tpu.vector_store %arg3[%swap3A_118, %swap3A_119, %swap3A_120], %swap3A_123 {strides = array<i32>} : memref<5x1x1024xf32, #tpu.memory_space<vmem>>, vector<1x1x1024xf32>,
    %convert_element_type3A_124 = arith.truncf %get3A_117 : vector<1x1024xf32> to vector<1x1024xbf16>
    %add3A_125 = arith.constant 1 : i32
    %add3A_126 = arith.addi %arg0, %add3A_125 : i32
    %while3A_127 = arith.constant 0 : i32
    %while3A_128 = arith.constant 5 : i32
    %while3A_129 = arith.subi %while3A_128, %add3A_126 : i32
    %while3A_130 = arith.addi %add3A_126, %while3A_129 : i32
    %while3A_131 = arith.constant 1 : i32
    %while3A_132 = arith.divsi %while3A_129, %while3A_131 : i32
    %while3A_133 = arith.muli %while3A_132, %while3A_131 : i32
    %while3A_134 = arith.addi %add3A_126, %while3A_133 : i32
    %while3A_135 = arith.constant 1 : i32
    scf.for %while3A_142 = %add3A_126 to %while3A_134 step %while3A_135  : i32 {
      %get3A_143 = arith.index_cast %while3A_142 : i32 to index
      %get3A_144 = arith.constant 0 : index
      %get3A_145 = arith.constant 0 : index
      %get3A_146 = vector.load %arg7[%get3A_143, %get3A_144, %get3A_145] : memref<5x4x1024xf32, #tpu.memory_space<vmem>>, vector<1x4x1024xf32>
      %get3A_147 = vector.shape_cast %get3A_146 : vector<1x4x1024xf32> to vector<4x1024xf32>
      %slice3A_148 = vector.extract_strided_slice %get3A_147 {offsets = [0, 0], sizes = [1, 1024], strides = [1, 1]} : vector<4x1024xf32> to vector<1x1024xf32>
      %slice3A_149 = vector.extract_strided_slice %get3A_147 {offsets = [1, 0], sizes = [1, 1024], strides = [1, 1]} : vector<4x1024xf32> to vector<1x1024xf32>
      %slice3A_150 = vector.extract_strided_slice %get3A_147 {offsets = [2, 0], sizes = [1, 1024], strides = [1, 1]} : vector<4x1024xf32> to vector<1x1024xf32>
      %slice3A_151 = vector.extract_strided_slice %get3A_147 {offsets = [3, 0], sizes = [1, 1024], strides = [1, 1]} : vector<4x1024xf32> to vector<1x1024xf32>
      %mul3A_152 = arith.constant 5.000000e-01 : f32
      %mul3A_153 = vector.broadcast %mul3A_152 : f32 to vector<1x1024xf32>
      %mul3A_154 = arith.mulf %mul3A_153, %slice3A_150 : vector<1x1024xf32>
      %sub3A_155 = arith.subf %slice3A_148, %mul3A_154 : vector<1x1024xf32>
      %mul3A_156 = arith.constant 5.000000e-01 : f32
      %mul3A_157 = vector.broadcast %mul3A_156 : f32 to vector<1x1024xf32>
      %mul3A_158 = arith.mulf %mul3A_157, %slice3A_151 : vector<1x1024xf32>
      %sub3A_159 = arith.subf %slice3A_149, %mul3A_158 : vector<1x1024xf32>
      %mul3A_160 = arith.constant 5.000000e-01 : f32
      %mul3A_161 = vector.broadcast %mul3A_160 : f32 to vector<1x1024xf32>
      %mul3A_162 = arith.mulf %mul3A_161, %slice3A_150 : vector<1x1024xf32>
      %add3A_163 = arith.addf %slice3A_148, %mul3A_162 : vector<1x1024xf32>
      %mul3A_164 = arith.constant 5.000000e-01 : f32
      %mul3A_165 = vector.broadcast %mul3A_164 : f32 to vector<1x1024xf32>
      %mul3A_166 = arith.mulf %mul3A_165, %slice3A_151 : vector<1x1024xf32>
      %add3A_167 = arith.addf %slice3A_149, %mul3A_166 : vector<1x1024xf32>
      %sub3A_168 = arith.subf %add3A_163, %sub3A_155 : vector<1x1024xf32>
      %sub3A_169 = arith.subf %add3A_167, %sub3A_159 : vector<1x1024xf32>
      %mul3A_170 = arith.mulf %sub3A_168, %sub3A_169 : vector<1x1024xf32>
      %max3A_171 = vector.broadcast %sub3A : vector<1024x1xf32> to vector<1024x1024xf32>
      %max3A_172 = vector.broadcast %sub3A_155 : vector<1x1024xf32> to vector<1024x1024xf32>
      %max3A_173 = arith.maximumf %max3A_171, %max3A_172 : vector<1024x1024xf32>
      %max3A_174 = vector.broadcast %sub3A_26 : vector<1024x1xf32> to vector<1024x1024xf32>
      %max3A_175 = vector.broadcast %sub3A_159 : vector<1x1024xf32> to vector<1024x1024xf32>
      %max3A_176 = arith.maximumf %max3A_174, %max3A_175 : vector<1024x1024xf32>
      %min3A_177 = vector.broadcast %add3A : vector<1024x1xf32> to vector<1024x1024xf32>
      %min3A_178 = vector.broadcast %add3A_163 : vector<1x1024xf32> to vector<1024x1024xf32>
      %min3A_179 = arith.minimumf %min3A_177, %min3A_178 : vector<1024x1024xf32>
      %min3A_180 = vector.broadcast %add3A_33 : vector<1024x1xf32> to vector<1024x1024xf32>
      %min3A_181 = vector.broadcast %add3A_167 : vector<1x1024xf32> to vector<1024x1024xf32>
      %min3A_182 = arith.minimumf %min3A_180, %min3A_181 : vector<1024x1024xf32>
      %sub3A_183 = arith.subf %min3A_179, %max3A_173 : vector<1024x1024xf32>
      %max3A_184 = arith.constant 0.000000e+00 : f32
      %max3A_185 = vector.broadcast %max3A_184 : f32 to vector<1024x1024xf32>
      %max3A_186 = arith.maximumf %sub3A_183, %max3A_185 : vector<1024x1024xf32>
      %sub3A_187 = arith.subf %min3A_182, %max3A_176 : vector<1024x1024xf32>
      %max3A_188 = arith.constant 0.000000e+00 : f32
      %max3A_189 = vector.broadcast %max3A_188 : f32 to vector<1024x1024xf32>
      %max3A_190 = arith.maximumf %sub3A_187, %max3A_189 : vector<1024x1024xf32>
      %mul3A_191 = arith.mulf %max3A_186, %max3A_190 : vector<1024x1024xf32>
      %add3A_192 = vector.broadcast %mul3A_36 : vector<1024x1xf32> to vector<1024x1024xf32>
      %add3A_193 = vector.broadcast %mul3A_170 : vector<1x1024xf32> to vector<1024x1024xf32>
      %add3A_194 = arith.addf %add3A_192, %add3A_193 : vector<1024x1024xf32>
      %sub3A_195 = arith.subf %add3A_194, %mul3A_191 : vector<1024x1024xf32>
      %div3A_196 = arith.divf %mul3A_191, %sub3A_195 : vector<1024x1024xf32>
      %gt3A_197 = arith.constant 0.699999988 : f32
      %gt3A_198 = vector.broadcast %gt3A_197 : f32 to vector<1024x1024xf32>
      %gt3A_199 = arith.cmpf ogt, %div3A_196, %gt3A_198 : vector<1024x1024xf32>
      %convert_element_type3A_200 = arith.extui %gt3A_199 : vector<1024x1024xi1> to vector<1024x1024xi32>
      %convert_element_type3A_201 = arith.sitofp %convert_element_type3A_200 : vector<1024x1024xi32> to vector<1024x1024xf32>
      %convert_element_type3A_202 = arith.truncf %convert_element_type3A_201 : vector<1024x1024xf32> to vector<1024x1024xbf16>
      %dot_general3A = arith.constant dense<0.000000e+00> : vector<1x1024xf32>
      %dot_general3A_203 = tpu.matmul %convert_element_type3A_124, %convert_element_type3A_202, %dot_general3A {dimension_numbers = #tpu.dot_dimension_numbers<[1], [0], [0], [1], [0, 0, 1, 1], [], []>, transpose_lhs_hint = false} : vector<1x1024xbf16>, vector<1024x1024xbf16>, vector<1x1024xf32> -> vector<1x1024xf32>
      %get3A_204 = arith.index_cast %while3A_142 : i32 to index
      %get3A_205 = arith.constant 0 : index
      %get3A_206 = arith.constant 0 : index
      %get3A_207 = vector.load %arg3[%get3A_204, %get3A_205, %get3A_206] : memref<5x1x1024xf32, #tpu.memory_space<vmem>>, vector<1x1x1024xf32>
      %get3A_208 = vector.shape_cast %get3A_207 : vector<1x1x1024xf32> to vector<1x1024xf32>
      %eq3A_209 = arith.constant 0.000000e+00 : f32
      %eq3A_210 = vector.broadcast %eq3A_209 : f32 to vector<1x1024xf32>
      %eq3A_211 = arith.cmpf oeq, %dot_general3A_203, %eq3A_210 : vector<1x1024xf32>
      %convert_element_type3A_212 = arith.extui %eq3A_211 : vector<1x1024xi1> to vector<1x1024xi32>
      %convert_element_type3A_213 = arith.sitofp %convert_element_type3A_212 : vector<1x1024xi32> to vector<1x1024xf32>
      %mul3A_214 = arith.mulf %get3A_208, %convert_element_type3A_213 : vector<1x1024xf32>
      %swap3A_215 = arith.index_cast %while3A_142 : i32 to index
      %swap3A_216 = arith.constant 0 : index
      %swap3A_217 = arith.constant 0 : index
      %swap3A_218 = vector.load %arg3[%swap3A_215, %swap3A_216, %swap3A_217] : memref<5x1x1024xf32, #tpu.memory_space<vmem>>, vector<1x1x1024xf32>
      %swap3A_219 = vector.shape_cast %swap3A_218 : vector<1x1x1024xf32> to vector<1x1024xf32>
      %swap3A_220 = vector.shape_cast %mul3A_214 : vector<1x1024xf32> to vector<1x1x1024xf32>
      tpu.vector_store %arg3[%swap3A_215, %swap3A_216, %swap3A_217], %swap3A_220 {strides = array<i32>} : memref<5x1x1024xf32, #tpu.memory_space<vmem>>, vector<1x1x1024xf32>,
    }
    %while3A_136 = arith.constant 1 : i32
    scf.for %while3A_142 = %while3A_134 to %while3A_130 step %while3A_136  : i32 {
      %get3A_143 = arith.index_cast %while3A_142 : i32 to index
      %get3A_144 = arith.constant 0 : index
      %get3A_145 = arith.constant 0 : index
      %get3A_146 = vector.load %arg7[%get3A_143, %get3A_144, %get3A_145] : memref<5x4x1024xf32, #tpu.memory_space<vmem>>, vector<1x4x1024xf32>
      %get3A_147 = vector.shape_cast %get3A_146 : vector<1x4x1024xf32> to vector<4x1024xf32>
      %slice3A_148 = vector.extract_strided_slice %get3A_147 {offsets = [0, 0], sizes = [1, 1024], strides = [1, 1]} : vector<4x1024xf32> to vector<1x1024xf32>
      %slice3A_149 = vector.extract_strided_slice %get3A_147 {offsets = [1, 0], sizes = [1, 1024], strides = [1, 1]} : vector<4x1024xf32> to vector<1x1024xf32>
      %slice3A_150 = vector.extract_strided_slice %get3A_147 {offsets = [2, 0], sizes = [1, 1024], strides = [1, 1]} : vector<4x1024xf32> to vector<1x1024xf32>
      %slice3A_151 = vector.extract_strided_slice %get3A_147 {offsets = [3, 0], sizes = [1, 1024], strides = [1, 1]} : vector<4x1024xf32> to vector<1x1024xf32>
      %mul3A_152 = arith.constant 5.000000e-01 : f32
      %mul3A_153 = vector.broadcast %mul3A_152 : f32 to vector<1x1024xf32>
      %mul3A_154 = arith.mulf %mul3A_153, %slice3A_150 : vector<1x1024xf32>
      %sub3A_155 = arith.subf %slice3A_148, %mul3A_154 : vector<1x1024xf32>
      %mul3A_156 = arith.constant 5.000000e-01 : f32
      %mul3A_157 = vector.broadcast %mul3A_156 : f32 to vector<1x1024xf32>
      %mul3A_158 = arith.mulf %mul3A_157, %slice3A_151 : vector<1x1024xf32>
      %sub3A_159 = arith.subf %slice3A_149, %mul3A_158 : vector<1x1024xf32>
      %mul3A_160 = arith.constant 5.000000e-01 : f32
      %mul3A_161 = vector.broadcast %mul3A_160 : f32 to vector<1x1024xf32>
      %mul3A_162 = arith.mulf %mul3A_161, %slice3A_150 : vector<1x1024xf32>
      %add3A_163 = arith.addf %slice3A_148, %mul3A_162 : vector<1x1024xf32>
      %mul3A_164 = arith.constant 5.000000e-01 : f32
      %mul3A_165 = vector.broadcast %mul3A_164 : f32 to vector<1x1024xf32>
      %mul3A_166 = arith.mulf %mul3A_165, %slice3A_151 : vector<1x1024xf32>
      %add3A_167 = arith.addf %slice3A_149, %mul3A_166 : vector<1x1024xf32>
      %sub3A_168 = arith.subf %add3A_163, %sub3A_155 : vector<1x1024xf32>
      %sub3A_169 = arith.subf %add3A_167, %sub3A_159 : vector<1x1024xf32>
      %mul3A_170 = arith.mulf %sub3A_168, %sub3A_169 : vector<1x1024xf32>
      %max3A_171 = vector.broadcast %sub3A : vector<1024x1xf32> to vector<1024x1024xf32>
      %max3A_172 = vector.broadcast %sub3A_155 : vector<1x1024xf32> to vector<1024x1024xf32>
      %max3A_173 = arith.maximumf %max3A_171, %max3A_172 : vector<1024x1024xf32>
      %max3A_174 = vector.broadcast %sub3A_26 : vector<1024x1xf32> to vector<1024x1024xf32>
      %max3A_175 = vector.broadcast %sub3A_159 : vector<1x1024xf32> to vector<1024x1024xf32>
      %max3A_176 = arith.maximumf %max3A_174, %max3A_175 : vector<1024x1024xf32>
      %min3A_177 = vector.broadcast %add3A : vector<1024x1xf32> to vector<1024x1024xf32>
      %min3A_178 = vector.broadcast %add3A_163 : vector<1x1024xf32> to vector<1024x1024xf32>
      %min3A_179 = arith.minimumf %min3A_177, %min3A_178 : vector<1024x1024xf32>
      %min3A_180 = vector.broadcast %add3A_33 : vector<1024x1xf32> to vector<1024x1024xf32>
      %min3A_181 = vector.broadcast %add3A_167 : vector<1x1024xf32> to vector<1024x1024xf32>
      %min3A_182 = arith.minimumf %min3A_180, %min3A_181 : vector<1024x1024xf32>
      %sub3A_183 = arith.subf %min3A_179, %max3A_173 : vector<1024x1024xf32>
      %max3A_184 = arith.constant 0.000000e+00 : f32
      %max3A_185 = vector.broadcast %max3A_184 : f32 to vector<1024x1024xf32>
      %max3A_186 = arith.maximumf %sub3A_183, %max3A_185 : vector<1024x1024xf32>
      %sub3A_187 = arith.subf %min3A_182, %max3A_176 : vector<1024x1024xf32>
      %max3A_188 = arith.constant 0.000000e+00 : f32
      %max3A_189 = vector.broadcast %max3A_188 : f32 to vector<1024x1024xf32>
      %max3A_190 = arith.maximumf %sub3A_187, %max3A_189 : vector<1024x1024xf32>
      %mul3A_191 = arith.mulf %max3A_186, %max3A_190 : vector<1024x1024xf32>
      %add3A_192 = vector.broadcast %mul3A_36 : vector<1024x1xf32> to vector<1024x1024xf32>
      %add3A_193 = vector.broadcast %mul3A_170 : vector<1x1024xf32> to vector<1024x1024xf32>
      %add3A_194 = arith.addf %add3A_192, %add3A_193 : vector<1024x1024xf32>
      %sub3A_195 = arith.subf %add3A_194, %mul3A_191 : vector<1024x1024xf32>
      %div3A_196 = arith.divf %mul3A_191, %sub3A_195 : vector<1024x1024xf32>
      %gt3A_197 = arith.constant 0.699999988 : f32
      %gt3A_198 = vector.broadcast %gt3A_197 : f32 to vector<1024x1024xf32>
      %gt3A_199 = arith.cmpf ogt, %div3A_196, %gt3A_198 : vector<1024x1024xf32>
      %convert_element_type3A_200 = arith.extui %gt3A_199 : vector<1024x1024xi1> to vector<1024x1024xi32>
      %convert_element_type3A_201 = arith.sitofp %convert_element_type3A_200 : vector<1024x1024xi32> to vector<1024x1024xf32>
      %convert_element_type3A_202 = arith.truncf %convert_element_type3A_201 : vector<1024x1024xf32> to vector<1024x1024xbf16>
      %dot_general3A = arith.constant dense<0.000000e+00> : vector<1x1024xf32>
      %dot_general3A_203 = tpu.matmul %convert_element_type3A_124, %convert_element_type3A_202, %dot_general3A {dimension_numbers = #tpu.dot_dimension_numbers<[1], [0], [0], [1], [0, 0, 1, 1], [], []>, transpose_lhs_hint = false} : vector<1x1024xbf16>, vector<1024x1024xbf16>, vector<1x1024xf32> -> vector<1x1024xf32>
      %get3A_204 = arith.index_cast %while3A_142 : i32 to index
      %get3A_205 = arith.constant 0 : index
      %get3A_206 = arith.constant 0 : index
      %get3A_207 = vector.load %arg3[%get3A_204, %get3A_205, %get3A_206] : memref<5x1x1024xf32, #tpu.memory_space<vmem>>, vector<1x1x1024xf32>
      %get3A_208 = vector.shape_cast %get3A_207 : vector<1x1x1024xf32> to vector<1x1024xf32>
      %eq3A_209 = arith.constant 0.000000e+00 : f32
      %eq3A_210 = vector.broadcast %eq3A_209 : f32 to vector<1x1024xf32>
      %eq3A_211 = arith.cmpf oeq, %dot_general3A_203, %eq3A_210 : vector<1x1024xf32>
      %convert_element_type3A_212 = arith.extui %eq3A_211 : vector<1x1024xi1> to vector<1x1024xi32>
      %convert_element_type3A_213 = arith.sitofp %convert_element_type3A_212 : vector<1x1024xi32> to vector<1x1024xf32>
      %mul3A_214 = arith.mulf %get3A_208, %convert_element_type3A_213 : vector<1x1024xf32>
      %swap3A_215 = arith.index_cast %while3A_142 : i32 to index
      %swap3A_216 = arith.constant 0 : index
      %swap3A_217 = arith.constant 0 : index
      %swap3A_218 = vector.load %arg3[%swap3A_215, %swap3A_216, %swap3A_217] : memref<5x1x1024xf32, #tpu.memory_space<vmem>>, vector<1x1x1024xf32>
      %swap3A_219 = vector.shape_cast %swap3A_218 : vector<1x1x1024xf32> to vector<1x1024xf32>
      %swap3A_220 = vector.shape_cast %mul3A_214 : vector<1x1024xf32> to vector<1x1x1024xf32>
      tpu.vector_store %arg3[%swap3A_215, %swap3A_216, %swap3A_217], %swap3A_220 {strides = array<i32>} : memref<5x1x1024xf32, #tpu.memory_space<vmem>>, vector<1x1x1024xf32>,
    }
    %eq3A_137 = arith.constant 4 : i32
    %eq3A_138 = arith.cmpi eq, %arg0, %eq3A_137 : i32
    %convert_element_type3A_139 = arith.extui %eq3A_138 : i1 to i32
    %cond3A_140 = arith.constant 0 : i32
    %cond3A_141 = arith.cmpi ne, %convert_element_type3A_139, %cond3A_140 : i32
    scf.if %cond3A_141 {
      %iota3A_142 = tpu.iota {dimensions = array<i32: 0>} : vector<1024x1024xi32>
      %iota3A_143 = tpu.iota {dimensions = array<i32: 1>} : vector<1024x1024xi32>
      %le3A = arith.cmpi sle, %iota3A_142, %iota3A_143 : vector<1024x1024xi32>
      %convert_element_type3A_144 = arith.extui %le3A : vector<1024x1024xi1> to vector<1024x1024xi32>
      %convert_element_type3A_145 = arith.sitofp %convert_element_type3A_144 : vector<1024x1024xi32> to vector<1024x1024xf32>
      %convert_element_type3A_146 = arith.truncf %convert_element_type3A_145 : vector<1024x1024xf32> to vector<1024x1024xbf16>
      %broadcast_in_dim3A = arith.constant 0.000000e+00 : f32
      %broadcast_in_dim3A_147 = vector.broadcast %broadcast_in_dim3A : f32 to vector<1x1xf32>
      %scan3A = arith.constant 0 : i32
      %scan3A_148 = arith.constant 5 : i32
      %scan3A_149 = arith.addi %scan3A, %scan3A_148 : i32
      %scan3A_150 = arith.constant 1 : i32
      %scan3A_151 = scf.for %scan3A_171 = %scan3A to %scan3A_149 step %scan3A_150 iter_args(%scan3A_172 = %broadcast_in_dim3A_147) -> (vector<1x1xf32>)  : i32 {
        %get3A_173 = arith.index_cast %scan3A_171 : i32 to index
        %get3A_174 = arith.constant 0 : index
        %get3A_175 = arith.constant 0 : index
        %get3A_176 = vector.load %arg3[%get3A_173, %get3A_174, %get3A_175] : memref<5x1x1024xf32, #tpu.memory_space<vmem>>, vector<1x1x1024xf32>
        %get3A_177 = vector.shape_cast %get3A_176 : vector<1x1x1024xf32> to vector<1x1024xf32>
        %convert_element_type3A_178 = arith.truncf %get3A_177 : vector<1x1024xf32> to vector<1x1024xbf16>
        %dot_general3A = arith.constant dense<0.000000e+00> : vector<1x1024xf32>
        %dot_general3A_179 = tpu.matmul %convert_element_type3A_178, %convert_element_type3A_146, %dot_general3A {dimension_numbers = #tpu.dot_dimension_numbers<[1], [0], [0], [1], [0, 0, 1, 1], [], []>, transpose_lhs_hint = false} : vector<1x1024xbf16>, vector<1024x1024xbf16>, vector<1x1024xf32> -> vector<1x1024xf32>
        %add3A_180 = vector.broadcast %scan3A_172 : vector<1x1xf32> to vector<1x1024xf32>
        %add3A_181 = arith.addf %dot_general3A_179, %add3A_180 : vector<1x1024xf32>
        %swap3A_182 = arith.index_cast %scan3A_171 : i32 to index
        %swap3A_183 = arith.constant 0 : index
        %swap3A_184 = arith.constant 0 : index
        %swap3A_185 = vector.load %arg6[%swap3A_182, %swap3A_183, %swap3A_184] : memref<5x1x1024xf32, #tpu.memory_space<vmem>>, vector<1x1x1024xf32>
        %swap3A_186 = vector.shape_cast %swap3A_185 : vector<1x1x1024xf32> to vector<1x1024xf32>
        %swap3A_187 = vector.shape_cast %add3A_181 : vector<1x1024xf32> to vector<1x1x1024xf32>
        tpu.vector_store %arg6[%swap3A_182, %swap3A_183, %swap3A_184], %swap3A_187 {strides = array<i32>} : memref<5x1x1024xf32, #tpu.memory_space<vmem>>, vector<1x1x1024xf32>,
        %slice3A_188 = vector.extract_strided_slice %add3A_181 {offsets = [0, 1023], sizes = [1, 1], strides = [1, 1]} : vector<1x1024xf32> to vector<1x1xf32>
        scf.yield %slice3A_188 : vector<1x1xf32>
      }
      %scan3A_152 = arith.constant 5 : i32
      %iota3A_153 = tpu.iota {dimensions = array<i32: 0>} : vector<1024x1xi32>
      %convert_element_type3A_154 = arith.sitofp %iota3A_153 : vector<1024x1xi32> to vector<1024x1xf32>
      %iota3A_155 = tpu.iota {dimensions = array<i32: 1>} : vector<1x1024xi32>
      %eq3A_156 = arith.constant 0 : i32
      %eq3A_157 = vector.broadcast %eq3A_156 : i32 to vector<1x1024xi32>
      %eq3A_158 = arith.cmpi eq, %iota3A_155, %eq3A_157 : vector<1x1024xi32>
      %broadcast_in_dim3A_159 = arith.constant 0.000000e+00 : f32
      %broadcast_in_dim3A_160 = vector.broadcast %broadcast_in_dim3A_159 : f32 to vector<1024x4xf32>
      %scan3A_161 = arith.constant 0 : i32
      %scan3A_162 = arith.constant 5 : i32
      %scan3A_163 = arith.addi %scan3A_161, %scan3A_162 : i32
      %scan3A_164 = arith.constant 1 : i32
      %scan3A_165 = scf.for %scan3A_171 = %scan3A_161 to %scan3A_163 step %scan3A_164 iter_args(%scan3A_172 = %broadcast_in_dim3A_160) -> (vector<1024x4xf32>)  : i32 {
        %get3A_173 = arith.index_cast %scan3A_171 : i32 to index
        %get3A_174 = arith.constant 0 : index
        %get3A_175 = arith.constant 0 : index
        %get3A_176 = vector.load %arg6[%get3A_173, %get3A_174, %get3A_175] : memref<5x1x1024xf32, #tpu.memory_space<vmem>>, vector<1x1x1024xf32>
        %get3A_177 = vector.shape_cast %get3A_176 : vector<1x1x1024xf32> to vector<1x1024xf32>
        %get3A_178 = arith.index_cast %scan3A_171 : i32 to index
        %get3A_179 = arith.constant 0 : index
        %get3A_180 = arith.constant 0 : index
        %get3A_181 = vector.load %arg3[%get3A_178, %get3A_179, %get3A_180] : memref<5x1x1024xf32, #tpu.memory_space<vmem>>, vector<1x1x1024xf32>
        %get3A_182 = vector.shape_cast %get3A_181 : vector<1x1x1024xf32> to vector<1x1024xf32>
        %gt3A_183 = arith.constant 0.000000e+00 : f32
        %gt3A_184 = vector.broadcast %gt3A_183 : f32 to vector<1x1024xf32>
        %gt3A_185 = arith.cmpf ogt, %get3A_182, %gt3A_184 : vector<1x1024xf32>
        %add3A_186 = arith.constant 1.000000e+00 : f32
        %add3A_187 = vector.broadcast %add3A_186 : f32 to vector<1024x1xf32>
        %add3A_188 = arith.addf %convert_element_type3A_154, %add3A_187 : vector<1024x1xf32>
        %eq3A_189 = vector.broadcast %get3A_177 : vector<1x1024xf32> to vector<1024x1024xf32>
        %eq3A_190 = vector.broadcast %add3A_188 : vector<1024x1xf32> to vector<1024x1024xf32>
        %eq3A_191 = arith.cmpf oeq, %eq3A_189, %eq3A_190 : vector<1024x1024xf32>
        %and3A_192 = vector.broadcast %gt3A_185 : vector<1x1024xi1> to vector<1024x1024xi1>
        %and3A_193 = arith.andi %and3A_192, %eq3A_191 : vector<1024x1024xi1>
        %add3A_194 = arith.constant 1.000000e+00 : f32
        %add3A_195 = vector.broadcast %add3A_194 : f32 to vector<1024x1xf32>
        %add3A_196 = arith.addf %convert_element_type3A_154, %add3A_195 : vector<1024x1xf32>
        %gt3A_197 = vector.broadcast %scan3A_151 : vector<1x1xf32> to vector<1024x1xf32>
        %gt3A_198 = arith.cmpf ogt, %add3A_196, %gt3A_197 : vector<1024x1xf32>
        %and3A_199 = vector.broadcast %gt3A_198 : vector<1024x1xi1> to vector<1024x1024xi1>
        %and3A_200 = vector.broadcast %eq3A_158 : vector<1x1024xi1> to vector<1024x1024xi1>
        %and3A_201 = arith.andi %and3A_199, %and3A_200 : vector<1024x1024xi1>
        %eq3A_202 = arith.constant 0 : i32
        %eq3A_203 = arith.cmpi eq, %scan3A_171, %eq3A_202 : i32
        %and3A_204 = vector.broadcast %eq3A_203 : i1 to vector<1024x1024xi1>
        %and3A_205 = arith.andi %and3A_201, %and3A_204 : vector<1024x1024xi1>
        %or3A = arith.ori %and3A_193, %and3A_205 : vector<1024x1024xi1>
        %convert_element_type3A_206 = arith.extui %or3A : vector<1024x1024xi1> to vector<1024x1024xi32>
        %convert_element_type3A_207 = arith.sitofp %convert_element_type3A_206 : vector<1024x1024xi32> to vector<1024x1024xf32>
        %convert_element_type3A_208 = arith.truncf %convert_element_type3A_207 : vector<1024x1024xf32> to vector<1024x1024xbf16>
        %mul3A_209 = arith.constant 1024 : i32
        %mul3A_210 = arith.muli %scan3A_171, %mul3A_209 : i32
        %get3A_211 = arith.index_cast %mul3A_210 : i32 to index
        %get3A_212 = arith.constant 0 : index
        %get3A_213 = vector.load %arg8[%get3A_211, %get3A_212] : memref<5120x4xf32, #tpu.memory_space<vmem>>, vector<1024x4xf32>
        %convert_element_type3A_214 = arith.truncf %get3A_213 : vector<1024x4xf32> to vector<1024x4xbf16>
        %convert_element_type3A_215 = arith.extf %convert_element_type3A_214 : vector<1024x4xbf16> to vector<1024x4xf32>
        %sub3A_216 = arith.subf %get3A_213, %convert_element_type3A_215 : vector<1024x4xf32>
        %convert_element_type3A_217 = arith.truncf %sub3A_216 : vector<1024x4xf32> to vector<1024x4xbf16>
        %convert_element_type3A_218 = arith.extf %convert_element_type3A_217 : vector<1024x4xbf16> to vector<1024x4xf32>
        %sub3A_219 = arith.subf %sub3A_216, %convert_element_type3A_218 : vector<1024x4xf32>
        %convert_element_type3A_220 = arith.truncf %sub3A_219 : vector<1024x4xf32> to vector<1024x4xbf16>
        %dot_general3A = arith.constant dense<0.000000e+00> : vector<1024x4xf32>
        %dot_general3A_221 = tpu.matmul %convert_element_type3A_208, %convert_element_type3A_214, %dot_general3A {dimension_numbers = #tpu.dot_dimension_numbers<[1], [0], [0], [1], [0, 0, 1, 1], [], []>, transpose_lhs_hint = false} : vector<1024x1024xbf16>, vector<1024x4xbf16>, vector<1024x4xf32> -> vector<1024x4xf32>
        %add3A_222 = arith.addf %scan3A_172, %dot_general3A_221 : vector<1024x4xf32>
        %dot_general3A_223 = arith.constant dense<0.000000e+00> : vector<1024x4xf32>
        %dot_general3A_224 = tpu.matmul %convert_element_type3A_208, %convert_element_type3A_217, %dot_general3A_223 {dimension_numbers = #tpu.dot_dimension_numbers<[1], [0], [0], [1], [0, 0, 1, 1], [], []>, transpose_lhs_hint = false} : vector<1024x1024xbf16>, vector<1024x4xbf16>, vector<1024x4xf32> -> vector<1024x4xf32>
        %add3A_225 = arith.addf %add3A_222, %dot_general3A_224 : vector<1024x4xf32>
        %dot_general3A_226 = arith.constant dense<0.000000e+00> : vector<1024x4xf32>
        %dot_general3A_227 = tpu.matmul %convert_element_type3A_208, %convert_element_type3A_220, %dot_general3A_226 {dimension_numbers = #tpu.dot_dimension_numbers<[1], [0], [0], [1], [0, 0, 1, 1], [], []>, transpose_lhs_hint = false} : vector<1024x1024xbf16>, vector<1024x4xbf16>, vector<1024x4xf32> -> vector<1024x4xf32>
        %add3A_228 = arith.addf %add3A_225, %dot_general3A_227 : vector<1024x4xf32>
        scf.yield %add3A_228 : vector<1024x4xf32>
      }
      %scan3A_166 = arith.constant 5 : i32
      %slice3A_167 = vector.extract_strided_slice %scan3A_165 {offsets = [0, 0], sizes = [1000, 4], strides = [1, 1]} : vector<1024x4xf32> to vector<1000x4xf32>
      %swap3A_168 = arith.constant 0 : index
      %swap3A_169 = arith.constant 0 : index
      %swap3A_170 = vector.load %arg2[%swap3A_168, %swap3A_169] : memref<1000x4xf32, #tpu.memory_space<vmem>>, vector<1000x4xf32>
      tpu.vector_store %arg2[%swap3A_168, %swap3A_169], %slice3A_167 {strides = array<i32>} : memref<1000x4xf32, #tpu.memory_space<vmem>>, vector<1000x4xf32>,
    } else {
    }
    return
  }
  func.func @transform_0(%arg0: i32) -> (i32, i32) {
    %c0_i32 = arith.constant 0 : i32
    %c0_i32_0 = arith.constant 0 : i32
    %c0_i32_1 = arith.constant 0 : i32
    return %c0_i32, %c0_i32_0 : i32, i32
  }
  func.func @transform_1(%arg0: i32) -> (i32, i32) {
    %c0_i32 = arith.constant 0 : i32
    %c0_i32_0 = arith.constant 0 : i32
    %c0_i32_1 = arith.constant 0 : i32
    return %c0_i32, %c0_i32_0 : i32, i32
  }
}

</mosaic_0001>

<sc_bundles>
// kernel: kernel.4.cloned.1.call-start
scs
__scs_entry_jumppad:
0x0: {  	(pc) =	sbr.rel $0x88, $3  }
0x1: {  	(tag) =	ssettag $0x0;
	lr =	simm.s32 $0x1  }
0x2: {  	[smem:$0x3F9F] =	sst lr;
	_ =	strace $0xD0000000  }
0x3: {  	_ = 	snop  }
0x4: {  	_ = 	snop  }
0x5: {  	_ = 	snop  }
0x6: {  	_ = 	snop  }
0x7: {  	_ = 	snop  }
__scs_overlays_trampoline_lowered:
0x8: {  	[smem:$0x3FAE] =	sst s0  }
0x9: {  	[smem:$0x3FAF] =	sst s1  }
0xa: {  	[smem:$0x3FB0] =	sst s2  }
0xb: {  	[smem:$0x3FB1] =	sst s3  }
0xc: {  	[smem:$0x3FB2] =	sst s4  }
0xd: {  	[smem:$0x3FB3] =	sst s5  }
0xe: {  	[smem:$0x3FB4] =	sst s6  }
0xf: {  	[smem:$0x3FB5] =	sst s7  }
0x10: {  	[smem:$0x3FB6] =	sst s8  }
0x11: {  	[smem:$0x3FB7] =	sst s9;
	s0 =	simm.s32 @!p0 $0x0  }
0x12: {  	s1 =	sld [smem:$0x3F9D];
	s0 =	simm.s32 @p0 $0x1  }
0x13: {  	[smem:$0x3FB8] =	sst s0;
	s0 =	simm.s32 @!p1 $0x0  }
0x14: {  	s2 =	sld [smem:$0x3F9C];
	s0 =	simm.s32 @p1 $0x1  }
0x15: {  	[smem:$0x3FB9] =	sst s0;
	s0 =	simm.s32 @!p2 $0x0  }
0x16: {  	s3 =	sld [smem:$0x3FDB];
	s0 =	simm.s32 @p2 $0x1  }
0x17: {  	s4 =	simm.s32 $0x1BF5;
	[smem:$0x3FBB] =	sst s0  }
0x18: {  	s0 =	sld [smem:$0x3F9E];
	_ =	swait.ge [sflag:s4], $0x0  }
0x19: {  	s7 =	sld [smem:$0x3F9F]  }
0x1a: {  	s8 =	sadd.s32 $0xFFFFE003, lr  }
0x1b: {  	s9 =	sadd.s32 $0xFFFFFEF7, lr;
	s5 =	simm.s32 $0xFFFFFFFF;
	p2 =	slt.u32 s8, $0xFFFFF086  }
0x1c: {  	p1 =	slt.u32 s9, $0xF7A;
	s5 =	simm.s32 @!p2 $0x0  }
0x1d: {  	s5 =	simm.s32 @p1 $0x1;
	p0 =	seq.s32 s7, s2  }
0x1e: {  	s7 =	smul.u32 @!p0 $0xF7A, s2;
	p2 =	seq.s32 @!p0 s5, $0x0  }
0x1f: {  	s9 =	smul.u32 $0xF7A, s1;
	s8 =	simm.s32 @!p0 $0x1BF5;
	p2 =	por !p2, p0  }
0x20: {  	[sflag:s8] =	ssyncset.s32 @!p0 $0xFFFFF086;
	s6 =	sadd.s32 @!p0 s3, s7;
	s7 =	simm.s32 @!p0 $0x108  }
0x21: {  	s3 =	sadd.s32 s3, s9;
	s6 =	sadd.s32 @!p0 $0x88, s6;
	s7 =	simm.s32 @p2 $0x1082  }
0x22: {  	[simem:s7], [sflag:s8] =	dma.local @!p0 [hbm:s6], $0xF7A  }
0x23: {  	s9 =	sor.u32 $0xD0000000, s2;
	s6 =	simm.s32 $0x108;
	_ =	swait.ge @!p0 [sflag:s8], $0x0  }
0x24: {  	s3 =	sadd.s32 $0x88, s3;
	s6 =	simm.s32 @!p1 $0x1082;
	[sflag:s4] =	ssyncset.s32 $0xFFFFF086  }
0x25: {  	[simem:s6], [sflag:s4] =	dma.local [hbm:s3], $0xF7A  }
0x26: {  	[smem:$0x3F9F] =	sst s1;
	(tag) =	ssettag s2;
	_ =	strace s9  }
0x27: {  	s1 =	sld [smem:$0x3FAF]  }
0x28: {  	s2 =	sld [smem:$0x3FB0]  }
0x29: {  	s4 =	sld [smem:$0x3FB2]  }
0x2a: {  	p0 =	seq.s32 s5, $0x0;
	s5 =	sld [smem:$0x3FB3]  }
0x2b: {  	s6 =	sld [smem:$0x3FB4]  }
0x2c: {  	s7 =	sld [smem:$0x3FB5]  }
0x2d: {  	s3 =	simm.s32 $0x108;
	s8 =	sld [smem:$0x3FB6]  }
0x2e: {  	s3 =	simm.s32 @!p0 $0x1082;
	s9 =	sld [smem:$0x3FB7]  }
0x2f: {  	lr =	sadd.s32 s0, s3;
	s0 =	sld [smem:$0x3FAE]  }
0x30: {  	s3 =	sld [smem:$0x3FB1]  }
0x31: {  	[smem:$0x3FBA] =	sst s10  }
0x32: {  	s10 =	sld [smem:$0x3FB8];
	_ =	sdelay $0x3  }
0x33: {  	p0 =	seq.s32 s10, $0x1;
	s10 =	sld [smem:$0x3FBA];
	_ =	sdelay $0x3  }
0x34: {  	[smem:$0x3FBA] =	sst s10  }
0x35: {  	s10 =	sld [smem:$0x3FB9];
	_ =	sdelay $0x3  }
0x36: {  	p1 =	seq.s32 s10, $0x1;
	s10 =	sld [smem:$0x3FBA];
	_ =	sdelay $0x3  }
0x37: {  	[smem:$0x3FBA] =	sst s10  }
0x38: {  	s10 =	sld [smem:$0x3FBB]  }
0x39: {  	_ = 	snop;
	(pc) =	sbr.ind lr, $3  }
0x3a: {  	_ = 	snop  }
0x3b: {  	_ = 	snop  }
0x3c: {  	p2 =	seq.s32 s10, $0x1;
	s10 =	sld [smem:$0x3FBA]  }
0x3d: {  	_ =	shalt  }
0x3e: {  	_ =	shalt  }
0x3f: {  	_ =	shalt  }
0x40: {  	_ =	shalt  }
0x41: {  	_ =	shalt  }
0x42: {  	_ =	shalt  }
0x43: {  	_ =	shalt  }
0x44: {  	_ =	shalt  }
0x45: {  	_ =	shalt  }
0x46: {  	_ =	shalt  }
0x47: {  	_ =	shalt  }
0x48: {  	_ =	shalt  }
0x49: {  	_ =	shalt  }
0x4a: {  	_ =	shalt  }
0x4b: {  	_ =	shalt  }
0x4c: {  	_ =	shalt  }
0x4d: {  	_ =	shalt  }
0x4e: {  	_ =	shalt  }
0x4f: {  	_ =	shalt  }
0x50: {  	_ =	shalt  }
0x51: {  	_ =	shalt  }
0x52: {  	_ =	shalt  }
0x53: {  	_ =	shalt  }
0x54: {  	_ =	shalt  }
0x55: {  	_ =	shalt  }
0x56: {  	_ =	shalt  }
0x57: {  	_ =	shalt  }
0x58: {  	_ =	shalt  }
0x59: {  	_ =	shalt  }
0x5a: {  	_ =	shalt  }
0x5b: {  	_ =	shalt  }
0x5c: {  	_ =	shalt  }
0x5d: {  	_ =	shalt  }
0x5e: {  	_ =	shalt  }
0x5f: {  	_ =	shalt  }
0x60: {  	_ =	shalt  }
0x61: {  	_ =	shalt  }
0x62: {  	_ =	shalt  }
0x63: {  	_ =	shalt  }
0x64: {  	_ =	shalt  }
0x65: {  	_ =	shalt  }
0x66: {  	_ =	shalt  }
0x67: {  	_ =	shalt  }
0x68: {  	_ =	shalt  }
0x69: {  	_ =	shalt  }
0x6a: {  	_ =	shalt  }
0x6b: {  	_ =	shalt  }
0x6c: {  	_ =	shalt  }
0x6d: {  	_ =	shalt  }
0x6e: {  	_ =	shalt  }
0x6f: {  	_ =	shalt  }
0x70: {  	_ =	shalt  }
0x71: {  	_ =	shalt  }
0x72: {  	_ =	shalt  }
0x73: {  	_ =	shalt  }
0x74: {  	_ =	shalt  }
0x75: {  	_ =	shalt  }
0x76: {  	_ =	shalt  }
0x77: {  	_ =	shalt  }
0x78: {  	_ =	shalt  }
0x79: {  	_ =	shalt  }
0x7a: {  	_ =	shalt  }
0x7b: {  	_ =	shalt  }
0x7c: {  	_ =	shalt  }
0x7d: {  	_ =	shalt  }
0x7e: {  	_ =	shalt  }
0x7f: {  	_ =	shalt  }
0x80: {  	_ =	shalt  }
0x81: {  	_ =	shalt  }
0x82: {  	_ =	shalt  }
0x83: {  	_ =	shalt  }
0x84: {  	_ =	shalt  }
0x85: {  	_ =	shalt  }
0x86: {  	_ =	shalt  }
0x87: {  	_ =	shalt  }
.Lfunc_end0:
.L_simem_size_0:
called_computation_lowered:
.L_overlay_start_0:
0x88: {  	s2 =	sld [smem:$0x3FD9]  }
0x89: {  	s3 =	sld [smem:$0x3FFE];
	_ =	sdelay $0x1  }
0x8a: {  	s1 =	srdreg.scid  }
0x8b: {  	s0 =	sand.u32 $0x1, s1  }
0x8c: {  	s16 =	sshll.u32 s0, $0xA;
	s2 =	sadd.s32 s3, s2  }
0x8d: {  	s2 =	sadd.s32 s2, s16  }
0x8e: {  	[smem:$0x3FC6] =	sst s2  }
0x8f: {  	_ = 	snop  }
0x90: {  	(tm) =	ssettm $0x1  }
0x91: {  	s17 =	sld [smem:$0x3FFB];
	_ =	sdelay $0x3  }
0x92: {  	_ =	strace s17  }
0x93: {  	s2 =	sld [smem:$0x3FFC];
	_ =	sdelay $0x3  }
0x94: {  	_ =	strace s2  }
0x95: {  	s2 =	sld [smem:$0x3FFD];
	_ =	sdelay $0x3  }
0x96: {  	_ =	strace s2  }
0x97: {  	_ =	strace $0x8FFFFFFF  }
0x98: {  	s18 =	sld [smem:$0x3FDB];
	_ =	sdelay $0x1  }
0x99: {  	s19 =	simm.s32 $_scs_section_size  }
0x9a: {  	s4 =	simm.s32 $_size__tile_overlayer_lowered;
	s5 =	simm.s32 $_tile_overlayer_lowered  }
0x9b: {  	s22 =	simm.s32 $0x1BFF;
	s21 =	sshll.u32 s5, $0x1;
	s2 =	sadd.s32 s19, s18  }
0x9c: {  	s6 =	simm.s32 $0x0;
	s20 =	sshll.u32 s4, $0x1;
	s4 =	sadd.s32 s21, s2  }
0x9d: {  	[timem:s6], [sflag:s22] =	dma.local [hbm:s4], s20  }
0x9e: {  	_ =	swait.ge [sflag:s22], s20  }
0x9f: {  	s3 =	ssub.s32 $0x0, s20;
	[sflag:s22] =	ssyncset.done $0x0  }
0xa0: {  	[sflag:s22] =	ssyncadd.s32 s3;
	_ =	sdelay $0x1  }
0xa1: {  	s23 =	simm.s32 $0x1B8B  }
0xa2: {  	_ =	swait.ge [sflag:s23], $0x1  }
0xa3: {  	[sflag:s23] =	ssyncset.done $0x0  }
0xa4: {  	s25 =	simm.s32 $0x1B8E;
	s24 =	sld [smem:$0x3FFE];
	[sflag:s23] =	ssyncadd.s32 $0xFFFFFFFF  }
0xa5: {  	s26 =	simm.s32 $execute0_lowered;
	[smem:$0x3FD2] =	sst s25  }
0xa6: {  	s4 =	sshll.u32 s26, $0x1;
	_ =	strace $0x80000046;
	[dreg:$0x1] =	wrdreg $0xFFFFFFFF  }
0xa7: {  	s28 =	simm.s32 $_size_execute0_lowered;
	s2 =	sadd.s32 s2, s4;
	[dreg:$0x0] =	wrdreg $0x0  }
0xa8: {  	s4 =	sshll.u32 s28, $0x1;
	[dreg:$0x2] =	wrdreg s2  }
0xa9: {  	[dreg:$0x3] =	wrdreg s4  }
0xaa: {  	[dreg:$0x4] =	wrdreg $0xC0  }
0xab: {  	_ =	task [dreg:s6], $0x5FFFF  }
0xac: {  	[dreg:$0x1] =	wrdreg $0xFFFFFFFF  }
0xad: {  	[dreg:$0x0] =	wrdreg $0x60  }
0xae: {  	[dreg:$0x2] =	wrdreg s24  }
0xaf: {  	[dreg:$0x3] =	wrdreg $0x9  }
0xb0: {  	_ =	task.clear_ibuf [dreg:s6], $0x4FFFF;
	_ =	strace $0x90000046  }
0xb1: {  	s29 =	simm.s32 $0x9;
	_ =	strace $0x80000048  }
0xb2: {  	_ =	swait.ge [sflag:s29], $0x1  }
0xb3: {  	[sflag:s29] =	ssyncadd.s32 $0xFFFFFFFF  }
0xb4: {  	_ =	strace $0x90000048  }
0xb5: {  	_ =	sfence  }
0xb6: {  	s30 =	sld [smem:$0x0];
	_ =	sdelay $0x2  }
0xb7: {  	s31 =	sshll.u32 s1, $0xD;
	s1 =	sshrl.u32 s1, $0x2  }
0xb8: {  	s3 =	sand.u32 $0x4000, s31;
	s1 =	sadd.s32 s1, s30  }
0xb9: {  	s0 =	sor.u32 s3, s0;
	s1 =	sshll.u32 s1, $0x11  }
0xba: {  	s0 =	sor.u32 s1, s0  }
0xbb: {  	s0 =	sadd.s32 $0x8F2B, s0  }
0xbc: {  	[sflag:s0] =	ssyncadd.remote.s32 $0x1  }
0xbd: {  	_ =	sfence.sel $0xFFFF  }
0xbe: {  	[dreg:$0x0] =	wrdreg $0xFFFFFFFF;
	(pc) =	sbr.abs _section_cstart, $3  }
0xbf: {  	[dreg:$0x1] =	wrdreg $0xFFFFFFFF  }
0xc0: {  	_ =	task.clear_ibuf [dreg:s6], $0x2FFFF;
	_ =	strace $0x9FFFFFFF  }
0xc1: {  	(tm) =	ssettm $0x7FFFFFFF  }
tec
execute0_lowered:
.L_overlay_start_1:
0x0: {  	(tag) =	ssettag $0x1  }
0x1: {  	s1 =	srdreg.scid;
	s0 =	stileid.u32  }
0x2: {  	s6 =	sand.u32 $0x1, s1;
	s31 =	sshll.u32 s0, $0x1  }
0x3: {  	s1 =	sor.u32 s6, s31  }
0x4: {  	s3 =	smul.u32 $0xA0, s1  }
0x5: {  	s4 =	rddreg [dreg:$0x0];
	s2 =	simm.s32 $0x0  }
0x6: {  	[smem:$0x7FF] =	sst s2;
	s3 =	sshrl.u32 s3, $0x3  }
0x7: {  	s1 =	rddreg [dreg:$0x1];
	s13 =	sadd.s32 s3, s4  }
0x8: {  	_ =	strace $0x80000047;
	s3 =	simm.s32 $0x2;
	s5 =	sadd.s32 $0xA00, s13  }
0x9: {  	[tilespmem:s2], [sflag:$0x2] =	stream.linear.gather [hbm4b:s5+s2], $0xA0, $0x38;
	[tilespmem:$0x600] =	vst v63  }
0xa: {  	_ =	swait.ge [sflag:s3], $0xA0  }
0xb: {  	[sflag:s3] =	ssyncset.done $0x0  }
0xc: {  	[sflag:s3] =	ssyncadd.s32 $0xFFFFFF60  }
0xd: {  	v0 =	vld [tilespmem:$0x90]  }
0xe: {  	v1 =	vld [tilespmem:$0x10]  }
0xf: {  	v2 =	vld [tilespmem:$0x0]  }
0x10: {  	v3 =	vld [tilespmem:$0x70]  }
0x11: {  	v55 =	vld [tilespmem:$0x60]  }
0x12: {  	v54 =	vld [tilespmem:$0x20]  }
0x13: {  	v57 =	vld [tilespmem:$0x80];
	[tilespmem:$0x190] =	vst v0  }
0x14: {  	v59 =	vld [tilespmem:$0x50];
	[tilespmem:$0x100] =	vst v2  }
0x15: {  	v60 =	vld [tilespmem:$0x30];
	[tilespmem:$0x110] =	vst v1  }
0x16: {  	v61 =	vld [tilespmem:$0x70];
	[tilespmem:$0x160] =	vst v55  }
0x17: {  	v62 =	vld [tilespmem:$0x40];
	[tilespmem:$0x120] =	vst v54  }
0x18: {  	v4 =	vld [tilespmem:$0x80];
	[tilespmem:$0x180] =	vst v57  }
0x19: {  	v5 =	vld [tilespmem:$0x90];
	[tilespmem:$0x150] =	vst v59  }
0x1a: {  	v27 =	vld [tilespmem:$0x60];
	[tilespmem:$0x130] =	vst v60  }
0x1b: {  	v28 =	vld [tilespmem:$0x50];
	[tilespmem:$0x170] =	vst v61  }
0x1c: {  	v29 =	vld [tilespmem:$0x40];
	v3 =	vadd.s32 $0x3C00, v3;
	[tilespmem:$0x140] =	vst v62  }
0x1d: {  	v6 =	vld [tilespmem:$0x20];
	v30 =	vadd.s32 $0x3C00, v4;
	[tilespmem:$0x350] =	vst v3  }
0x1e: {  	v32 =	vld [tilespmem:$0x10];
	v31 =	vadd.s32 $0x2800, v5;
	[tilespmem:$0x360] =	vst v30  }
0x1f: {  	v34 =	vld [tilespmem:$0x10];
	v0 =	vadd.s32 $0x3C00, v27;
	[tilespmem:$0x2D0] =	vst v31  }
0x20: {  	v52 =	vld [tilespmem:$0x30];
	v2 =	vadd.s32 $0x3C00, v28;
	[tilespmem:$0x340] =	vst v0  }
0x21: {  	v56 =	vld [tilespmem:$0x70];
	v1 =	vadd.s32 $0x3C00, v29;
	[tilespmem:$0x330] =	vst v2  }
0x22: {  	v33 =	vld [tilespmem:$0x0];
	v6 =	vadd.s32 $0x3C00, v6;
	[tilespmem:$0x320] =	vst v1  }
0x23: {  	v35 =	vld [tilespmem:$0x80];
	v5 =	vadd.s32 $0x3C00, v32;
	[tilespmem:$0x300] =	vst v6  }
0x24: {  	v36 =	vld [tilespmem:$0x70];
	v4 =	vadd.s32 $0x2800, v34;
	[tilespmem:$0x2F0] =	vst v5  }
0x25: {  	v37 =	vld [tilespmem:$0x60];
	v58 =	vadd.s32 $0x3C00, v52;
	[tilespmem:$0x250] =	vst v4  }
0x26: {  	v38 =	vld [tilespmem:$0x40];
	v63 =	vadd.s32 $0x1400, v56;
	[tilespmem:$0x310] =	vst v58  }
0x27: {  	v39 =	vld [tilespmem:$0x30];
	v3 =	vadd.s32 $0x3C00, v33;
	[tilespmem:$0x210] =	vst v63  }
0x28: {  	v41 =	vld [tilespmem:$0x30];
	v0 =	vadd.s32 $0x2800, v35;
	[tilespmem:$0x2E0] =	vst v3  }
0x29: {  	v40 =	vld [tilespmem:$0x20];
	v2 =	vadd.s32 $0x2800, v36;
	[tilespmem:$0x2C0] =	vst v0  }
0x2a: {  	v42 =	vld [tilespmem:$0x0];
	v1 =	vadd.s32 $0x2800, v37;
	[tilespmem:$0x2B0] =	vst v2  }
0x2b: {  	v43 =	vld [tilespmem:$0x90];
	v6 =	vadd.s32 $0x2800, v38;
	[tilespmem:$0x2A0] =	vst v1  }
0x2c: {  	v44 =	vld [tilespmem:$0x80];
	v5 =	vadd.s32 $0x2800, v39;
	[tilespmem:$0x280] =	vst v6  }
0x2d: {  	v45 =	vld [tilespmem:$0x60];
	v4 =	vadd.s32 $0x1400, v41;
	[tilespmem:$0x270] =	vst v5  }
0x2e: {  	v46 =	vld [tilespmem:$0x50];
	v3 =	vadd.s32 $0x2800, v40;
	[tilespmem:$0x1D0] =	vst v4  }
0x2f: {  	v49 =	vld [tilespmem:$0x20];
	v0 =	vadd.s32 $0x2800, v42;
	[tilespmem:$0x260] =	vst v3  }
0x30: {  	v47 =	vld [tilespmem:$0x40];
	v2 =	vadd.s32 $0x1400, v43;
	[tilespmem:$0x240] =	vst v0  }
0x31: {  	v48 =	vld [tilespmem:$0x90];
	v1 =	vadd.s32 $0x1400, v44;
	[tilespmem:$0x230] =	vst v2  }
0x32: {  	v50 =	vld [tilespmem:$0x10];
	v6 =	vadd.s32 $0x1400, v45;
	[tilespmem:$0x220] =	vst v1  }
0x33: {  	v51 =	vld [tilespmem:$0x0];
	v5 =	vadd.s32 $0x1400, v46;
	[tilespmem:$0x200] =	vst v6  }
0x34: {  	v53 =	vld [tilespmem:$0x50];
	v4 =	vadd.s32 $0x1400, v49;
	[tilespmem:$0x1F0] =	vst v5  }
0x35: {  	v3 =	vadd.s32 $0x1400, v47;
	[tilespmem:$0x1C0] =	vst v4  }
0x36: {  	v0 =	vadd.s32 $0x3C00, v48;
	[tilespmem:$0x1E0] =	vst v3  }
0x37: {  	v2 =	vadd.s32 $0x1400, v50;
	[tilespmem:$0x370] =	vst v0  }
0x38: {  	s14 =	simm.s32 $0x50;
	s15 =	simm.s32 $0x100;
	v1 =	vadd.s32 $0x1400, v51;
	[tilespmem:$0x1B0] =	vst v2  }
0x39: {  	s16 =	simm.s32 $0x150;
	s17 =	simm.s32 $0x3D0;
	s19 =	simm.s32 $0x1A0;
	[tilespmem:$0x1A0] =	vst v1;
	v3 =	vadd.s32 $0x2800, v53  }
0x3a: {  	s20 =	simm.s32 $0x1F0;
	s7 =	ssub.s32 $0x2, s6;
	s6 =	simm.s32 $0x380;
	[tilespmem:$0x290] =	vst v3  }
0x3b: {  	[tilespmem:s6], [sflag:$0x1] =	stream.indirect.gather [hbm4b:s4+s14], $0x1, s15, s14, $0xb8;
	[tilespmem:$0x600] =	vst v63  }
0x3c: {  	s21 =	simm.s32 $0x470;
	s22 =	simm.s32 $0x240;
	s8 =	sshrl.u32 s7, $0x1  }
0x3d: {  	[tilespmem:s17], [sflag:$0x1] =	stream.indirect.gather [hbm4b:s4+s14], $0x1, s16, s14, $0xb8;
	[tilespmem:$0x600] =	vst v63  }
0x3e: {  	s23 =	simm.s32 $0x290;
	s12 =	ssub.s32 s7, s8;
	s7 =	simm.s32 $0x420  }
0x3f: {  	[tilespmem:s7], [sflag:$0x1] =	stream.indirect.gather [hbm4b:s4+s14], $0x1, s19, s14, $0xb8;
	[tilespmem:$0x600] =	vst v63  }
0x40: {  	s24 =	simm.s32 $0x510;
	s25 =	simm.s32 $0x2E0;
	s18 =	smax.u32 s12, $0x1  }
0x41: {  	[tilespmem:s21], [sflag:$0x1] =	stream.indirect.gather [hbm4b:s4+s14], $0x1, s20, s14, $0xb8;
	[tilespmem:$0x600] =	vst v63  }
0x42: {  	s26 =	simm.s32 $0x330;
	s8 =	simm.s32 $0x4C0;
	p0 =	sne.s32 s18, $0x1  }
0x43: {  	[tilespmem:s8], [sflag:$0x1] =	stream.indirect.gather [hbm4b:s4+s14], $0x1, s22, s14, $0xb8;
	[tilespmem:$0x600] =	vst v63  }
.Ltmp0:
0x44: {  	s29 =	simm.s32 $0x5B0;
	s12 =	simm.s32 $0x560;
	(pc) =	sbr.rel @!p0 .LBB2_2-.Ltmp0, $4  }
0x45: {  	s28 =	sadd.s32 $0xFFFFFFFF, s18;
	s18 =	simm.s32 $0x1;
	s9 =	sadd.s32 $0xE00, s13  }
0x46: {  	[tilespmem:s24], [sflag:$0x1] =	stream.indirect.gather [hbm4b:s4+s14], $0x1, s23, s14, $0xb8;
	[tilespmem:$0x600] =	vst v63  }
0x47: {  	s10 =	sadd.s32 $0x1080, s13;
	s11 =	sadd.s32 $0x1300, s13;
	s13 =	sadd.s32 $0x1580, s13  }
0x48: {  	[tilespmem:s12], [sflag:$0x1] =	stream.indirect.gather [hbm4b:s4+s14], $0x1, s25, s14, $0xb8;
	[tilespmem:$0x600] =	vst v63  }
.LBB2_1:
0x49: {  	[tilespmem:s29], [sflag:$0x1] =	stream.indirect.gather [hbm4b:s4+s14], $0x1, s26, s14, $0xb8;
	[tilespmem:$0x600] =	vst v63  }
0x4a: {  	p0 =	sne.s32 s28, $0x1;
	s28 =	sadd.s32 $0xFFFFFFFF, s28;
	_ =	swait.ge [sflag:s18], $0x50  }
0x4b: {  	[sflag:s18] =	ssyncset.done $0x0  }
0x4c: {  	[sflag:s18] =	ssyncadd.s32 $0xFFFFFFB0  }
0x4d: {  	_ =	swait.ge [sflag:s18], $0x50  }
0x4e: {  	[sflag:s18] =	ssyncset.done $0x0  }
0x4f: {  	[sflag:s18] =	ssyncadd.s32 $0xFFFFFFB0  }
0x50: {  	_ =	swait.ge [sflag:s18], $0x50  }
0x51: {  	[sflag:s18] =	ssyncset.done $0x0  }
0x52: {  	[sflag:s18] =	ssyncadd.s32 $0xFFFFFFB0  }
0x53: {  	_ =	swait.ge [sflag:s18], $0x50  }
0x54: {  	[sflag:s18] =	ssyncset.done $0x0  }
0x55: {  	[sflag:s18] =	ssyncadd.s32 $0xFFFFFFB0  }
0x56: {  	_ =	swait.ge [sflag:s18], $0x50  }
0x57: {  	[sflag:s18] =	ssyncset.done $0x0  }
0x58: {  	[sflag:s18] =	ssyncadd.s32 $0xFFFFFFB0  }
0x59: {  	_ =	swait.ge [sflag:s18], $0x50  }
0x5a: {  	[sflag:s18] =	ssyncset.done $0x0  }
0x5b: {  	[sflag:s18] =	ssyncadd.s32 $0xFFFFFFB0  }
0x5c: {  	_ =	swait.ge [sflag:s18], $0x50  }
0x5d: {  	[sflag:s18] =	ssyncset.done $0x0  }
0x5e: {  	[sflag:s18] =	ssyncadd.s32 $0xFFFFFFB0  }
0x5f: {  	_ =	swait.ge [sflag:s18], $0x50  }
0x60: {  	[sflag:s18] =	ssyncset.done $0x0  }
0x61: {  	[sflag:s18] =	ssyncadd.s32 $0xFFFFFFB0  }
0x62: {  	[hbm4b:s9+s2] =	stream.linear.scatter [tilespmem:s6], [sflag:$0x2], $0xA0, $0x38;
	[tilespmem:$0x600] =	vst v63  }
0x63: {  	_ =	swait.ge [sflag:s3], $0xA0  }
0x64: {  	[sflag:s3] =	ssyncset.done $0x0  }
0x65: {  	[sflag:s3] =	ssyncadd.s32 $0xFFFFFF60  }
0x66: {  	[hbm4b:s10+s2] =	stream.linear.scatter [tilespmem:s7], [sflag:$0x2], $0xA0, $0x38;
	[tilespmem:$0x600] =	vst v63  }
0x67: {  	_ =	swait.ge [sflag:s3], $0xA0  }
0x68: {  	[sflag:s3] =	ssyncset.done $0x0  }
0x69: {  	[sflag:s3] =	ssyncadd.s32 $0xFFFFFF60  }
0x6a: {  	[hbm4b:s11+s2] =	stream.linear.scatter [tilespmem:s8], [sflag:$0x2], $0xA0, $0x38;
	[tilespmem:$0x600] =	vst v63  }
0x6b: {  	_ =	swait.ge [sflag:s3], $0xA0  }
0x6c: {  	[sflag:s3] =	ssyncset.done $0x0  }
0x6d: {  	[sflag:s3] =	ssyncadd.s32 $0xFFFFFF60  }
0x6e: {  	[hbm4b:s13+s2] =	stream.linear.scatter [tilespmem:s12], [sflag:$0x2], $0xA0, $0x38;
	[tilespmem:$0x600] =	vst v63  }
0x6f: {  	_ =	swait.ge [sflag:s3], $0xA0  }
0x70: {  	[sflag:s3] =	ssyncset.done $0x0  }
0x71: {  	[sflag:s3] =	ssyncadd.s32 $0xFFFFFF60  }
0x72: {  	[tilespmem:s2], [sflag:$0x2] =	stream.linear.gather [hbm4b:s5+s2], $0xA0, $0x38;
	[tilespmem:$0x600] =	vst v63  }
0x73: {  	_ =	swait.ge [sflag:s3], $0xA0  }
0x74: {  	[sflag:s3] =	ssyncset.done $0x0  }
0x75: {  	[sflag:s3] =	ssyncadd.s32 $0xFFFFFF60  }
0x76: {  	v1 =	vld [tilespmem:$0x90]  }
0x77: {  	v0 =	vld [tilespmem:$0x20]  }
0x78: {  	v2 =	vld [tilespmem:$0x10]  }
0x79: {  	v3 =	vld [tilespmem:$0x0]  }
0x7a: {  	v4 =	vld [tilespmem:$0x70]  }
0x7b: {  	v5 =	vld [tilespmem:$0x80]  }
0x7c: {  	v6 =	vld [tilespmem:$0x90]  }
0x7d: {  	[tilespmem:$0x190] =	vst v1;
	v1 =	vld [tilespmem:$0x60]  }
0x7e: {  	[tilespmem:$0x100] =	vst v3;
	v3 =	vld [tilespmem:$0x50]  }
0x7f: {  	[tilespmem:$0x110] =	vst v2;
	v2 =	vld [tilespmem:$0x40];
	v4 =	vadd.s32 $0x3C00, v4  }
0x80: {  	v7 =	vld [tilespmem:$0x20];
	[tilespmem:$0x350] =	vst v4;
	v4 =	vadd.s32 $0x3C00, v5  }
0x81: {  	v5 =	vadd.s32 $0x2800, v6;
	v6 =	vld [tilespmem:$0x10];
	[tilespmem:$0x360] =	vst v4  }
0x82: {  	[tilespmem:$0x2D0] =	vst v5;
	v4 =	vld [tilespmem:$0x0];
	v1 =	vadd.s32 $0x3C00, v1  }
0x83: {  	v5 =	vld [tilespmem:$0x10];
	v3 =	vadd.s32 $0x3C00, v3;
	[tilespmem:$0x340] =	vst v1  }
0x84: {  	v1 =	vld [tilespmem:$0x80];
	v2 =	vadd.s32 $0x3C00, v2;
	[tilespmem:$0x330] =	vst v3  }
0x85: {  	v3 =	vld [tilespmem:$0x70];
	v7 =	vadd.s32 $0x3C00, v7;
	[tilespmem:$0x320] =	vst v2  }
0x86: {  	v2 =	vld [tilespmem:$0x60];
	v6 =	vadd.s32 $0x3C00, v6;
	[tilespmem:$0x300] =	vst v7  }
0x87: {  	v7 =	vld [tilespmem:$0x40];
	v4 =	vadd.s32 $0x3C00, v4;
	[tilespmem:$0x2F0] =	vst v6  }
0x88: {  	v5 =	vadd.s32 $0x2800, v5;
	v6 =	vld [tilespmem:$0x30];
	[tilespmem:$0x2E0] =	vst v4  }
0x89: {  	[tilespmem:$0x250] =	vst v5;
	v4 =	vld [tilespmem:$0x20];
	v1 =	vadd.s32 $0x2800, v1  }
0x8a: {  	v5 =	vld [tilespmem:$0x30];
	v3 =	vadd.s32 $0x2800, v3;
	[tilespmem:$0x2C0] =	vst v1  }
0x8b: {  	v1 =	vld [tilespmem:$0x0];
	v2 =	vadd.s32 $0x2800, v2;
	[tilespmem:$0x2B0] =	vst v3  }
0x8c: {  	v3 =	vld [tilespmem:$0x90];
	v7 =	vadd.s32 $0x2800, v7;
	[tilespmem:$0x2A0] =	vst v2  }
0x8d: {  	v2 =	vld [tilespmem:$0x80];
	v6 =	vadd.s32 $0x2800, v6;
	[tilespmem:$0x280] =	vst v7  }
0x8e: {  	v7 =	vld [tilespmem:$0x60];
	v4 =	vadd.s32 $0x2800, v4;
	[tilespmem:$0x270] =	vst v6  }
0x8f: {  	v5 =	vadd.s32 $0x1400, v5;
	v6 =	vld [tilespmem:$0x50];
	[tilespmem:$0x260] =	vst v4  }
0x90: {  	[tilespmem:$0x1D0] =	vst v5;
	v4 =	vld [tilespmem:$0x40];
	v1 =	vadd.s32 $0x2800, v1  }
0x91: {  	v3 =	vadd.s32 $0x1400, v3;
	[tilespmem:$0x240] =	vst v1;
	v1 =	vld [tilespmem:$0x90]  }
0x92: {  	v5 =	vld [tilespmem:$0x20];
	v2 =	vadd.s32 $0x1400, v2;
	[tilespmem:$0x230] =	vst v3  }
0x93: {  	v3 =	vld [tilespmem:$0x10];
	v7 =	vadd.s32 $0x1400, v7;
	[tilespmem:$0x220] =	vst v2  }
0x94: {  	v2 =	vld [tilespmem:$0x0];
	v6 =	vadd.s32 $0x1400, v6;
	[tilespmem:$0x200] =	vst v7  }
0x95: {  	v4 =	vadd.s32 $0x1400, v4;
	[tilespmem:$0x1F0] =	vst v6;
	v6 =	vld [tilespmem:$0x30]  }
0x96: {  	[tilespmem:$0x1E0] =	vst v4;
	v4 =	vld [tilespmem:$0x50];
	v1 =	vadd.s32 $0x3C00, v1  }
0x97: {  	v5 =	vadd.s32 $0x1400, v5;
	v7 =	vld [tilespmem:$0x70];
	[tilespmem:$0x370] =	vst v1  }
0x98: {  	v1 =	vld [tilespmem:$0x60];
	v3 =	vadd.s32 $0x1400, v3;
	[tilespmem:$0x1C0] =	vst v5  }
0x99: {  	v5 =	vld [tilespmem:$0x50];
	v2 =	vadd.s32 $0x1400, v2;
	[tilespmem:$0x1B0] =	vst v3  }
0x9a: {  	v3 =	vld [tilespmem:$0x80];
	[tilespmem:$0x1A0] =	vst v2;
	v2 =	vadd.s32 $0x3C00, v6  }
0x9b: {  	v6 =	vld [tilespmem:$0x40];
	v4 =	vadd.s32 $0x2800, v4;
	[tilespmem:$0x310] =	vst v2  }
0x9c: {  	v2 =	vld [tilespmem:$0x30];
	v7 =	vadd.s32 $0x1400, v7;
	[tilespmem:$0x290] =	vst v4  }
0x9d: {  	[tilespmem:$0x160] =	vst v1;
	v1 =	vld [tilespmem:$0x70]  }
0x9e: {  	[tilespmem:$0x120] =	vst v0  }
0x9f: {  	[tilespmem:$0x180] =	vst v3  }
0xa0: {  	[tilespmem:$0x150] =	vst v5  }
0xa1: {  	[tilespmem:$0x130] =	vst v2  }
0xa2: {  	[tilespmem:$0x170] =	vst v1  }
0xa3: {  	[tilespmem:$0x140] =	vst v6  }
0xa4: {  	[tilespmem:$0x210] =	vst v7  }
0xa5: {  	[tilespmem:s6], [sflag:$0x1] =	stream.indirect.gather [hbm4b:s4+s14], $0x1, s15, s14, $0xb8;
	[tilespmem:$0x600] =	vst v63  }
0xa6: {  	_ = 	snop  }
0xa7: {  	[tilespmem:s17], [sflag:$0x1] =	stream.indirect.gather [hbm4b:s4+s14], $0x1, s16, s14, $0xb8;
	[tilespmem:$0x600] =	vst v63  }
0xa8: {  	_ = 	snop  }
0xa9: {  	[tilespmem:s7], [sflag:$0x1] =	stream.indirect.gather [hbm4b:s4+s14], $0x1, s19, s14, $0xb8;
	[tilespmem:$0x600] =	vst v63  }
0xaa: {  	_ = 	snop  }
0xab: {  	[tilespmem:s21], [sflag:$0x1] =	stream.indirect.gather [hbm4b:s4+s14], $0x1, s20, s14, $0xb8;
	[tilespmem:$0x600] =	vst v63  }
0xac: {  	_ = 	snop  }
0xad: {  	[tilespmem:s8], [sflag:$0x1] =	stream.indirect.gather [hbm4b:s4+s14], $0x1, s22, s14, $0xb8;
	[tilespmem:$0x600] =	vst v63  }
.Ltmp1:
0xae: {  	_ = 	snop;
	(pc) =	sbr.rel @p0 .LBB2_1-.Ltmp1, $4  }
0xaf: {  	_ = 	snop  }
0xb0: {  	[tilespmem:s24], [sflag:$0x1] =	stream.indirect.gather [hbm4b:s4+s14], $0x1, s23, s14, $0xb8;
	[tilespmem:$0x600] =	vst v63  }
0xb1: {  	_ = 	snop  }
0xb2: {  	[tilespmem:s12], [sflag:$0x1] =	stream.indirect.gather [hbm4b:s4+s14], $0x1, s25, s14, $0xb8;
	[tilespmem:$0x600] =	vst v63  }
.LBB2_2:
0xb3: {  	[tilespmem:s29], [sflag:$0x1] =	stream.indirect.gather [hbm4b:s4+s14], $0x1, s26, s14, $0xb8;
	[tilespmem:$0x600] =	vst v63  }
0xb4: {  	_ =	swait.ge [sflag:s18], $0x50  }
0xb5: {  	[sflag:s18] =	ssyncset.done $0x0  }
0xb6: {  	[sflag:s18] =	ssyncadd.s32 $0xFFFFFFB0  }
0xb7: {  	_ =	swait.ge [sflag:s18], $0x50  }
0xb8: {  	[sflag:s18] =	ssyncset.done $0x0  }
0xb9: {  	[sflag:s18] =	ssyncadd.s32 $0xFFFFFFB0  }
0xba: {  	_ =	swait.ge [sflag:s18], $0x50  }
0xbb: {  	[sflag:s18] =	ssyncset.done $0x0  }
0xbc: {  	[sflag:s18] =	ssyncadd.s32 $0xFFFFFFB0  }
0xbd: {  	_ =	swait.ge [sflag:s18], $0x50  }
0xbe: {  	[sflag:s18] =	ssyncset.done $0x0  }
0xbf: {  	[sflag:s18] =	ssyncadd.s32 $0xFFFFFFB0  }
0xc0: {  	_ =	swait.ge [sflag:s18], $0x50  }
0xc1: {  	[sflag:s18] =	ssyncset.done $0x0  }
0xc2: {  	[sflag:s18] =	ssyncadd.s32 $0xFFFFFFB0  }
0xc3: {  	_ =	swait.ge [sflag:s18], $0x50  }
0xc4: {  	[sflag:s18] =	ssyncset.done $0x0  }
0xc5: {  	[sflag:s18] =	ssyncadd.s32 $0xFFFFFFB0  }
0xc6: {  	_ =	swait.ge [sflag:s18], $0x50  }
0xc7: {  	[sflag:s18] =	ssyncset.done $0x0  }
0xc8: {  	[sflag:s18] =	ssyncadd.s32 $0xFFFFFFB0  }
0xc9: {  	_ =	swait.ge [sflag:s18], $0x50  }
0xca: {  	[sflag:s18] =	ssyncset.done $0x0  }
0xcb: {  	[sflag:s18] =	ssyncadd.s32 $0xFFFFFFB0  }
0xcc: {  	[hbm4b:s9+s2] =	stream.linear.scatter [tilespmem:s6], [sflag:$0x2], $0xA0, $0x38;
	[tilespmem:$0x600] =	vst v63  }
0xcd: {  	_ =	swait.ge [sflag:s3], $0xA0  }
0xce: {  	[sflag:s3] =	ssyncset.done $0x0  }
0xcf: {  	[sflag:s3] =	ssyncadd.s32 $0xFFFFFF60  }
0xd0: {  	[hbm4b:s10+s2] =	stream.linear.scatter [tilespmem:s7], [sflag:$0x2], $0xA0, $0x38;
	[tilespmem:$0x600] =	vst v63  }
0xd1: {  	_ =	swait.ge [sflag:s3], $0xA0  }
0xd2: {  	[sflag:s3] =	ssyncset.done $0x0  }
0xd3: {  	[sflag:s3] =	ssyncadd.s32 $0xFFFFFF60  }
0xd4: {  	[hbm4b:s11+s2] =	stream.linear.scatter [tilespmem:s8], [sflag:$0x2], $0xA0, $0x38;
	[tilespmem:$0x600] =	vst v63  }
0xd5: {  	_ =	swait.ge [sflag:s3], $0xA0  }
0xd6: {  	[sflag:s3] =	ssyncset.done $0x0  }
0xd7: {  	[sflag:s3] =	ssyncadd.s32 $0xFFFFFF60  }
0xd8: {  	[hbm4b:s13+s2] =	stream.linear.scatter [tilespmem:s12], [sflag:$0x2], $0xA0, $0x38;
	[tilespmem:$0x600] =	vst v63  }
0xd9: {  	_ =	swait.ge [sflag:s3], $0xA0  }
0xda: {  	[sflag:s3] =	ssyncset.done $0x0  }
0xdb: {  	[sflag:s3] =	ssyncadd.s32 $0xFFFFFF60  }
0xdc: {  	_ =	sfence.sel $0x180000  }
0xdd: {  	[bflag:$0x0] =	sbarrier.arrive $0xFFFF  }
0xde: {  	p0 =	sne.s32 s0, $0x0;
	_ =	strace $0x90000047  }
0xdf: {  	s0 =	sadd.s32 @!p0 $0x100000, s1;
	[bflag:$0x2] =	sbarrier.arrive $0xFFFF  }
0xe0: {  	[sflag:s0] =	ssyncadd.tile.s32 @!p0 $0x1;
	_ =	shalt  }
.Lfunc_end2:
_tile_overlayer_lowered:
.L_overlay_start_2:
0xe1: {  	(tag) =	ssettag $0x2  }
0xe2: {  	s0 =	rddreg [dreg:$0x0];
	s2 =	stileid.u32  }
0xe3: {  	s1 =	rddreg [dreg:$0x1];
	p0 =	sne.s32 s2, $0x0  }
0xe4: {  	s3 =	rddreg [dreg:$0x2];
	[bflag:$0x3] =	sbarrier.arrive $0xFFFF;
	s2 =	simm.s32 @!p0 $0x1C02  }
0xe5: {  	[timem:s3], [sflag:s2] =	dma.local @!p0 [hbm:s0], s1  }
0xe6: {  	s0 =	simm.s32 @!p0 $0x2  }
0xe7: {  	_ =	swait.ge @!p0 [sflag:s0], s1  }
0xe8: {  	s1 =	ssub.s32 @!p0 $0x0, s1;
	[sflag:s0] =	ssyncset.done @!p0 $0x0  }
0xe9: {  	[sflag:s0] =	ssyncadd.s32 @!p0 s1  }
0xea: {  	[bflag:$0x3] =	sbarrier.arrive $0xFFFF  }
0xeb: {  	_ =	shalt  }

</sc_bundles>
